<compile_context>
chip_gen: v7x
topology: tpu7x:2x2x1
jax: 0.10.2.dev20260603
libtpu: 0.0.44.dev20260713+nightly
codegen_flags: <defaults>
</compile_context>

<pallas_src>
import functools

import jax
import jax.numpy as jnp
from jax import lax
from jax.experimental import pallas as pl
from jax.experimental.pallas import tpu as pltpu
from jax.experimental.pallas import tpu_sc as plsc

N = 10000
NP = 10240
D = 128
H = 16
CH = 128
NW = 32
STRIPE = NP // 16

_mesh = plsc.VectorSubcoreMesh(core_axis_name="c", subcore_axis_name="s")


def _worker(c, s):
    return s * 2 + c


def _sc_deg_body(n_per_w, edges, zeros, out, idx_v, ones_v, acc_sh, sem):
    c = lax.axis_index("c")
    s = lax.axis_index("s")
    w = _worker(c, s)

    @pl.when(s == 0)
    def _():
        pltpu.sync_copy(zeros, acc_sh)

    for j in range(CH // 16):
        ones_v[pl.ds(j * 16, 16)] = jnp.ones((16,), jnp.float32)
    plsc.subcore_barrier()

    def body(i, carry):
        chunk = w * n_per_w + i
        pltpu.sync_copy(edges.at[chunk], idx_v)
        pltpu.sync_copy(ones_v, acc_sh.at[idx_v.at[1]], add=True)
        return carry

    lax.fori_loop(0, n_per_w, body, 0)
    plsc.subcore_barrier()
    off = pl.multiple_of(c * NP + s * STRIPE, STRIPE)
    pltpu.sync_copy(acc_sh.at[pl.ds(s * STRIPE, STRIPE)],
                    out.at[pl.ds(off, STRIPE)])


def _sc_deg(edges, zeros):
    n_per_w = edges.shape[0] // NW
    return pl.kernel(
        functools.partial(_sc_deg_body, n_per_w),
        mesh=_mesh,
        compiler_params=pltpu.CompilerParams(use_tc_tiling_on_sc=False),
        out_type=jax.ShapeDtypeStruct((2 * NP,), jnp.float32),
        scratch_types=[
            pltpu.VMEM((2, CH), jnp.int32),
            pltpu.VMEM((CH,), jnp.float32),
            pltpu.VMEM_SHARED((NP,), jnp.float32),
            pltpu.SemaphoreType.DMA,
        ],
    )(edges, zeros)


def _sc_agg16_body(n_per_w, edges, table, zeros, out, idx_v, rows_v, acc_sh, sem):
    c = lax.axis_index("c")
    s = lax.axis_index("s")
    w = _worker(c, s)

    @pl.when(s == 0)
    def _():
        pltpu.sync_copy(zeros, acc_sh)

    plsc.subcore_barrier()

    def body(i, carry):
        chunk = w * n_per_w + i
        pltpu.sync_copy(edges.at[chunk], idx_v)
        pltpu.async_copy(table.at[idx_v.at[0]], rows_v, sem).wait()
        pltpu.sync_copy(rows_v, acc_sh.at[idx_v.at[1]], add=True)
        return carry

    lax.fori_loop(0, n_per_w, body, 0)
    plsc.subcore_barrier()
    off = pl.multiple_of(c * NP + s * STRIPE, STRIPE)
    pltpu.sync_copy(acc_sh.at[pl.ds(s * STRIPE, STRIPE)],
                    out.at[pl.ds(off, STRIPE)])


def _sc_agg16(edges, table, zeros):
    n_per_w = edges.shape[0] // NW
    return pl.kernel(
        functools.partial(_sc_agg16_body, n_per_w),
        mesh=_mesh,
        compiler_params=pltpu.CompilerParams(use_tc_tiling_on_sc=False),
        out_type=jax.ShapeDtypeStruct((2 * NP, H), jnp.float32),
        scratch_types=[
            pltpu.VMEM((2, CH), jnp.int32),
            pltpu.VMEM((CH, H), jnp.float32),
            pltpu.VMEM_SHARED((NP, H), jnp.float32),
            pltpu.SemaphoreType.DMA,
        ],
    )(edges, table, zeros)


def _sc_agg1_body(n_per_w, edges, table, zeros, out, idx_v, vals_v, acc_sh, sem):
    c = lax.axis_index("c")
    s = lax.axis_index("s")
    w = _worker(c, s)

    @pl.when(s == 0)
    def _():
        pltpu.sync_copy(zeros, acc_sh)

    plsc.subcore_barrier()

    def body(i, carry):
        chunk = w * n_per_w + i
        pltpu.sync_copy(edges.at[chunk], idx_v)
        pltpu.async_copy(table.at[idx_v.at[0]], vals_v, sem).wait()
        pltpu.sync_copy(vals_v, acc_sh.at[idx_v.at[1]], add=True)
        return carry

    lax.fori_loop(0, n_per_w, body, 0)
    plsc.subcore_barrier()
    off = pl.multiple_of(c * NP + s * STRIPE, STRIPE)
    pltpu.sync_copy(acc_sh.at[pl.ds(s * STRIPE, STRIPE)],
                    out.at[pl.ds(off, STRIPE)])


def _sc_agg1(edges, table, zeros):
    n_per_w = edges.shape[0] // NW
    return pl.kernel(
        functools.partial(_sc_agg1_body, n_per_w),
        mesh=_mesh,
        compiler_params=pltpu.CompilerParams(use_tc_tiling_on_sc=False),
        out_type=jax.ShapeDtypeStruct((2 * NP,), jnp.float32),
        scratch_types=[
            pltpu.VMEM((2, CH), jnp.int32),
            pltpu.VMEM((CH,), jnp.float32),
            pltpu.VMEM_SHARED((NP,), jnp.float32),
            pltpu.SemaphoreType.DMA,
        ],
    )(edges, table, zeros)


def _tc_stage1_body(x_ref, w1_ref, dA_ref, dB_ref, dinv_ref, hs1_ref):
    deg = dA_ref[...] + dB_ref[...] + 1.0
    dinv = lax.rsqrt(deg)
    h = jnp.dot(x_ref[...], w1_ref[...], preferred_element_type=jnp.float32)
    dinv_ref[...] = dinv
    hs1_ref[...] = h * dinv


def _tc_stage1(x, w1, degA, degB):
    return pl.pallas_call(
        _tc_stage1_body,
        out_shape=(
            jax.ShapeDtypeStruct((N, 1), jnp.float32),
            jax.ShapeDtypeStruct((N, H), jnp.float32),
        ),
    )(x, w1, degA, degB)


def _tc_stage2_body(a1A_ref, a1B_ref, hs1_ref, dinv_ref, b1_ref, w2_ref, hs2_ref):
    dinv = dinv_ref[...]
    pre = dinv * (a1A_ref[...] + a1B_ref[...] + hs1_ref[...]) + b1_ref[...]
    y1 = jnp.maximum(pre, 0.0)
    h2 = jnp.dot(y1, w2_ref[...], preferred_element_type=jnp.float32)
    hs2_ref[...] = h2 * dinv


def _tc_stage2(acc1A, acc1B, hs1, dinv, b1, w2):
    return pl.pallas_call(
        _tc_stage2_body,
        out_shape=jax.ShapeDtypeStruct((N, 1), jnp.float32),
    )(acc1A, acc1B, hs1, dinv, b1, w2)


def _tc_stage3_body(a2A_ref, a2B_ref, hs2_ref, dinv_ref, b2_ref, out_ref):
    out_ref[...] = (dinv_ref[...] * (a2A_ref[...] + a2B_ref[...] + hs2_ref[...])
                    + b2_ref[...])


def _tc_stage3(acc2A, acc2B, hs2, dinv, b2):
    return pl.pallas_call(
        _tc_stage3_body,
        out_shape=jax.ShapeDtypeStruct((N, 1), jnp.float32),
    )(acc2A, acc2B, hs2, dinv, b2)


@jax.jit
def kernel(x, edge_index, W1, b1, W2, b2):
    E = edge_index.shape[1]
    n_per_w = pl.cdiv(pl.cdiv(E, CH), NW)
    E_pad = NW * n_per_w * CH
    src = jnp.concatenate(
        [edge_index[0], jnp.zeros((E_pad - E,), jnp.int32)])
    dst = jnp.concatenate(
        [edge_index[1], jnp.full((E_pad - E,), N, jnp.int32)])
    edges = jnp.stack([src, dst]).reshape(2, -1, CH).transpose(1, 0, 2)

    zeros16 = jnp.zeros((NP, H), jnp.float32)
    zeros1 = jnp.zeros((NP,), jnp.float32)

    deg = _sc_deg(edges, zeros1)
    degA = deg[:N, None]
    degB = deg[NP:NP + N, None]

    dinv, hs1 = _tc_stage1(x, W1, degA, degB)

    acc1 = _sc_agg16(edges, hs1, zeros16)

    hs2 = _tc_stage2(acc1[:N], acc1[NP:NP + N], hs1, dinv,
                     b1.reshape(1, H), W2)

    acc2 = _sc_agg1(edges, hs2.reshape(N), zeros1)

    out = _tc_stage3(acc2[:N, None], acc2[NP:NP + N, None], hs2, dinv,
                     b2.reshape(1, 1))
    return out

# --- scband reference (transcript-rebuilt; emitter-appended) ---
"""Pipeline reference for scband-simple-gcn-89953795047638 (READ-ONLY COPY).

The authoritative reference and input builder live on the scoring server;
editing this copy changes nothing except your own understanding.
"""

import jax, jax.numpy as jnp
import numpy as np

N_NODES = 10000
N_EDGES = 320000
D_FEAT = 128
HIDDEN = 16
NUM_CLASSES = 1


def gcn_layer(x, edge_index, W, b):
    # GCNConv: x' = D^{-1/2} (A + I) D^{-1/2} (x W) + b
    N = x.shape[0]
    loops = jnp.arange(N, dtype=edge_index.dtype)
    src = jnp.concatenate([edge_index[0], loops])
    dst = jnp.concatenate([edge_index[1], loops])
    # degree computed on destination nodes (with self-loops), edge weight 1
    deg = jax.ops.segment_sum(jnp.ones(src.shape[0], dtype=x.dtype), dst, num_segments=N)
    dinv = jnp.where(deg > 0, 1.0 / jnp.sqrt(deg), 0.0)
    norm = dinv[src] * dinv[dst]
    h = x @ W
    msg = h[src] * norm[:, None]
    out = jax.ops.segment_sum(msg, dst, num_segments=N)
    return out + b


def setup_inputs(seed: int = 0) -> dict:
    key = jax.random.key(seed)
    k1, k2, k3, k4 = jax.random.split(key, 4)
    x = jax.random.normal(k1, (N_NODES, D_FEAT), dtype=jnp.float32)
    edge_index = jax.random.randint(k2, (2, N_EDGES), 0, N_NODES, dtype=jnp.int32)
    W1 = jax.random.normal(k3, (D_FEAT, HIDDEN), dtype=jnp.float32) * (1.0 / np.sqrt(D_FEAT))
    b1 = jnp.zeros((HIDDEN,), dtype=jnp.float32)
    W2 = jax.random.normal(k4, (HIDDEN, NUM_CLASSES), dtype=jnp.float32) * (1.0 / np.sqrt(HIDDEN))
    b2 = jnp.zeros((NUM_CLASSES,), dtype=jnp.float32)
    return {"x": x, "edge_index": edge_index, "W1": W1, "b1": b1, "W2": W2, "b2": b2}


def reference(x, edge_index, W1, b1, W2, b2):
    h = gcn_layer(x, edge_index, W1, b1)
    h = jax.nn.relu(h)
    # F.dropout with training=False (eval mode) is identity; omitted for determinism
    out = gcn_layer(h, edge_index, W2, b2)
    return out

if __name__ == "__main__":
    import jax
    _d = setup_inputs()
    print(jax.jit(kernel)(*tuple(_d.values())))

</pallas_src>

<mosaic_0001>
#map = affine_map<(d0, d1) -> (0, 0, 0)>
#map1 = affine_map<(d0, d1) -> (0)>
module attributes {stable_mosaic.version = 14 : i64} {
  func.func @_sc_deg_body(%arg0: i32, %arg1: i32, %arg2: memref<2528x2x128xi32, #tpu.memory_space<hbm>>, %arg3: memref<10240xf32, #tpu.memory_space<hbm>>, %arg4: memref<20480xf32, #tpu.memory_space<hbm>>, %arg5: memref<2x128xi32, #tpu.memory_space<vmem>>, %arg6: memref<128xf32, #tpu.memory_space<vmem>>, %arg7: memref<10240xf32, #tpu.memory_space<vmem_shared>>, %arg8: memref<!tpu.dma_semaphore, #tpu.memory_space<semaphore_mem>>) attributes {dimension_semantics = [#tpu.dimension_semantics<core_parallel>, #tpu.dimension_semantics<subcore_parallel>], iteration_bounds = array<i64: 2, 16>, scalar_prefetch = 0 : i64, scratch_operands = 4 : i64, tpu.core_type = #tpu.core_type<sc_vector_subcore>, window_params = [{transform_indices = #map}, {transform_indices = #map1}, {transform_indices = #map1}]} {
    %mul3A = arith.constant 2 : i32
    %mul3A_0 = arith.muli %arg1, %mul3A : i32
    %add3A = arith.addi %mul3A_0, %arg0 : i32
    %eq3A = arith.constant 0 : i32
    %eq3A_1 = arith.cmpi eq, %arg1, %eq3A : i32
    %convert_element_type3A = arith.extui %eq3A_1 : i1 to i32
    %cond3A = arith.constant 0 : i32
    %cond3A_2 = arith.cmpi ne, %convert_element_type3A, %cond3A : i32
    scf.if %cond3A_2 {
      "tpu.region"() ({
        %run_scoped3A = tpu.sem_alloc : memref<!tpu.dma_semaphore, #tpu.memory_space<semaphore_mem>>
        tpu.enqueue_dma source(%arg3 : memref<10240xf32, #tpu.memory_space<hbm>>) target(%arg7 : memref<10240xf32, #tpu.memory_space<vmem_shared>>) target_semaphore(%run_scoped3A : memref<!tpu.dma_semaphore, #tpu.memory_space<semaphore_mem>>)
        tpu.wait_dma2 semaphore(%run_scoped3A : memref<!tpu.dma_semaphore, #tpu.memory_space<semaphore_mem>>) src(%arg3 : memref<10240xf32, #tpu.memory_space<hbm>>) dst(%arg7 : memref<10240xf32, #tpu.memory_space<vmem_shared>>)
        tpu.yield
      }) : () -> ()
    } else {
    }
    %broadcast_in_dim3A = arith.constant 1.000000e+00 : f32
    %broadcast_in_dim3A_3 = vector.broadcast %broadcast_in_dim3A : f32 to vector<16xf32>
    %swap3A = arith.constant 0 : index
    %swap3A_4 = tpu.vector_load %arg6[%swap3A] {strides = array<i32>} : memref<128xf32, #tpu.memory_space<vmem>>, vector<16xf32>,
    %swap3A_5 = vector.shape_cast %swap3A_4 : vector<16xf32> to vector<16xf32>
    %swap3A_6 = vector.shape_cast %broadcast_in_dim3A_3 : vector<16xf32> to vector<16xf32>
    tpu.vector_store %arg6[%swap3A], %swap3A_6 {strides = array<i32>} : memref<128xf32, #tpu.memory_space<vmem>>, vector<16xf32>,
    %broadcast_in_dim3A_7 = arith.constant 1.000000e+00 : f32
    %broadcast_in_dim3A_8 = vector.broadcast %broadcast_in_dim3A_7 : f32 to vector<16xf32>
    %swap3A_9 = arith.constant 16 : index
    %swap3A_10 = tpu.vector_load %arg6[%swap3A_9] {strides = array<i32>} : memref<128xf32, #tpu.memory_space<vmem>>, vector<16xf32>,
    %swap3A_11 = vector.shape_cast %swap3A_10 : vector<16xf32> to vector<16xf32>
    %swap3A_12 = vector.shape_cast %broadcast_in_dim3A_8 : vector<16xf32> to vector<16xf32>
    tpu.vector_store %arg6[%swap3A_9], %swap3A_12 {strides = array<i32>} : memref<128xf32, #tpu.memory_space<vmem>>, vector<16xf32>,
    %broadcast_in_dim3A_13 = arith.constant 1.000000e+00 : f32
    %broadcast_in_dim3A_14 = vector.broadcast %broadcast_in_dim3A_13 : f32 to vector<16xf32>
    %swap3A_15 = arith.constant 32 : index
    %swap3A_16 = tpu.vector_load %arg6[%swap3A_15] {strides = array<i32>} : memref<128xf32, #tpu.memory_space<vmem>>, vector<16xf32>,
    %swap3A_17 = vector.shape_cast %swap3A_16 : vector<16xf32> to vector<16xf32>
    %swap3A_18 = vector.shape_cast %broadcast_in_dim3A_14 : vector<16xf32> to vector<16xf32>
    tpu.vector_store %arg6[%swap3A_15], %swap3A_18 {strides = array<i32>} : memref<128xf32, #tpu.memory_space<vmem>>, vector<16xf32>,
    %broadcast_in_dim3A_19 = arith.constant 1.000000e+00 : f32
    %broadcast_in_dim3A_20 = vector.broadcast %broadcast_in_dim3A_19 : f32 to vector<16xf32>
    %swap3A_21 = arith.constant 48 : index
    %swap3A_22 = tpu.vector_load %arg6[%swap3A_21] {strides = array<i32>} : memref<128xf32, #tpu.memory_space<vmem>>, vector<16xf32>,
    %swap3A_23 = vector.shape_cast %swap3A_22 : vector<16xf32> to vector<16xf32>
    %swap3A_24 = vector.shape_cast %broadcast_in_dim3A_20 : vector<16xf32> to vector<16xf32>
    tpu.vector_store %arg6[%swap3A_21], %swap3A_24 {strides = array<i32>} : memref<128xf32, #tpu.memory_space<vmem>>, vector<16xf32>,
    %broadcast_in_dim3A_25 = arith.constant 1.000000e+00 : f32
    %broadcast_in_dim3A_26 = vector.broadcast %broadcast_in_dim3A_25 : f32 to vector<16xf32>
    %swap3A_27 = arith.constant 64 : index
    %swap3A_28 = tpu.vector_load %arg6[%swap3A_27] {strides = array<i32>} : memref<128xf32, #tpu.memory_space<vmem>>, vector<16xf32>,
    %swap3A_29 = vector.shape_cast %swap3A_28 : vector<16xf32> to vector<16xf32>
    %swap3A_30 = vector.shape_cast %broadcast_in_dim3A_26 : vector<16xf32> to vector<16xf32>
    tpu.vector_store %arg6[%swap3A_27], %swap3A_30 {strides = array<i32>} : memref<128xf32, #tpu.memory_space<vmem>>, vector<16xf32>,
    %broadcast_in_dim3A_31 = arith.constant 1.000000e+00 : f32
    %broadcast_in_dim3A_32 = vector.broadcast %broadcast_in_dim3A_31 : f32 to vector<16xf32>
    %swap3A_33 = arith.constant 80 : index
    %swap3A_34 = tpu.vector_load %arg6[%swap3A_33] {strides = array<i32>} : memref<128xf32, #tpu.memory_space<vmem>>, vector<16xf32>,
    %swap3A_35 = vector.shape_cast %swap3A_34 : vector<16xf32> to vector<16xf32>
    %swap3A_36 = vector.shape_cast %broadcast_in_dim3A_32 : vector<16xf32> to vector<16xf32>
    tpu.vector_store %arg6[%swap3A_33], %swap3A_36 {strides = array<i32>} : memref<128xf32, #tpu.memory_space<vmem>>, vector<16xf32>,
    %broadcast_in_dim3A_37 = arith.constant 1.000000e+00 : f32
    %broadcast_in_dim3A_38 = vector.broadcast %broadcast_in_dim3A_37 : f32 to vector<16xf32>
    %swap3A_39 = arith.constant 96 : index
    %swap3A_40 = tpu.vector_load %arg6[%swap3A_39] {strides = array<i32>} : memref<128xf32, #tpu.memory_space<vmem>>, vector<16xf32>,
    %swap3A_41 = vector.shape_cast %swap3A_40 : vector<16xf32> to vector<16xf32>
    %swap3A_42 = vector.shape_cast %broadcast_in_dim3A_38 : vector<16xf32> to vector<16xf32>
    tpu.vector_store %arg6[%swap3A_39], %swap3A_42 {strides = array<i32>} : memref<128xf32, #tpu.memory_space<vmem>>, vector<16xf32>,
    %broadcast_in_dim3A_43 = arith.constant 1.000000e+00 : f32
    %broadcast_in_dim3A_44 = vector.broadcast %broadcast_in_dim3A_43 : f32 to vector<16xf32>
    %swap3A_45 = arith.constant 112 : index
    %swap3A_46 = tpu.vector_load %arg6[%swap3A_45] {strides = array<i32>} : memref<128xf32, #tpu.memory_space<vmem>>, vector<16xf32>,
    %swap3A_47 = vector.shape_cast %swap3A_46 : vector<16xf32> to vector<16xf32>
    %swap3A_48 = vector.shape_cast %broadcast_in_dim3A_44 : vector<16xf32> to vector<16xf32>
    tpu.vector_store %arg6[%swap3A_45], %swap3A_48 {strides = array<i32>} : memref<128xf32, #tpu.memory_space<vmem>>, vector<16xf32>,
    %barrier3A = arith.constant 0 : index
    tpu.barrier barrier_id(%barrier3A)
    %scan3A = arith.constant 0 : i32
    %scan3A_49 = arith.constant 0 : i32
    %scan3A_50 = arith.constant 79 : i32
    %scan3A_51 = arith.addi %scan3A_49, %scan3A_50 : i32
    %scan3A_52 = arith.constant 1 : i32
    scf.for %scan3A_62 = %scan3A_49 to %scan3A_51 step %scan3A_52  : i32 {
      %mul3A_63 = arith.constant 79 : i32
      %mul3A_64 = arith.muli %add3A, %mul3A_63 : i32
      %add3A_65 = arith.addi %mul3A_64, %scan3A_62 : i32
      "tpu.region"() ({
        %run_scoped3A_66 = tpu.sem_alloc : memref<!tpu.dma_semaphore, #tpu.memory_space<semaphore_mem>>
        %dma_start3A = arith.constant 0 : i32
        %dma_start3A_67 = arith.constant 0 : i32
        %dma_start3A_68 = tpu.memref_slice %arg2[%add3A_65, %dma_start3A, %dma_start3A_67] : memref<2528x2x128xi32, #tpu.memory_space<hbm>> -> memref<1x2x128xi32, #tpu.memory_space<hbm>>
        %dma_start3A_69 = tpu.memref_squeeze %dma_start3A_68 : memref<1x2x128xi32, #tpu.memory_space<hbm>> -> memref<2x128xi32, #tpu.memory_space<hbm>>
        %dma_start3A_70 = arith.constant 0 : i32
        %dma_start3A_71 = arith.constant 0 : i32
        %dma_start3A_72 = tpu.memref_slice %arg2[%add3A_65, %dma_start3A_70, %dma_start3A_71] : memref<2528x2x128xi32, #tpu.memory_space<hbm>> -> memref<1x2x128xi32, #tpu.memory_space<hbm>>
        %dma_start3A_73 = tpu.memref_squeeze %dma_start3A_72 : memref<1x2x128xi32, #tpu.memory_space<hbm>> -> memref<2x128xi32, #tpu.memory_space<hbm>>
        tpu.enqueue_dma source(%dma_start3A_73 : memref<2x128xi32, #tpu.memory_space<hbm>>) target(%arg5 : memref<2x128xi32, #tpu.memory_space<vmem>>) target_semaphore(%run_scoped3A_66 : memref<!tpu.dma_semaphore, #tpu.memory_space<semaphore_mem>>)
        %dma_wait3A = arith.constant 0 : i32
        %dma_wait3A_74 = arith.constant 0 : i32
        %dma_wait3A_75 = tpu.memref_slice %arg2[%add3A_65, %dma_wait3A, %dma_wait3A_74] : memref<2528x2x128xi32, #tpu.memory_space<hbm>> -> memref<1x2x128xi32, #tpu.memory_space<hbm>>
        %dma_wait3A_76 = tpu.memref_squeeze %dma_wait3A_75 : memref<1x2x128xi32, #tpu.memory_space<hbm>> -> memref<2x128xi32, #tpu.memory_space<hbm>>
        %dma_wait3A_77 = arith.constant 0 : i32
        %dma_wait3A_78 = arith.constant 0 : i32
        %dma_wait3A_79 = tpu.memref_slice %arg2[%add3A_65, %dma_wait3A_77, %dma_wait3A_78] : memref<2528x2x128xi32, #tpu.memory_space<hbm>> -> memref<1x2x128xi32, #tpu.memory_space<hbm>>
        %dma_wait3A_80 = tpu.memref_squeeze %dma_wait3A_79 : memref<1x2x128xi32, #tpu.memory_space<hbm>> -> memref<2x128xi32, #tpu.memory_space<hbm>>
        tpu.wait_dma2 semaphore(%run_scoped3A_66 : memref<!tpu.dma_semaphore, #tpu.memory_space<semaphore_mem>>) src(%dma_wait3A_80 : memref<2x128xi32, #tpu.memory_space<hbm>>) dst(%arg5 : memref<2x128xi32, #tpu.memory_space<vmem>>)
        tpu.yield
      }) : () -> ()
      %run_scoped3A = arith.constant 1 : i32
      "tpu.region"() ({
        %run_scoped3A_66 = tpu.sem_alloc : memref<!tpu.dma_semaphore, #tpu.memory_space<semaphore_mem>>
        %dma_start3A = arith.constant 0 : i32
        %dma_start3A_67 = tpu.memref_slice %arg5[%run_scoped3A, %dma_start3A] : memref<2x128xi32, #tpu.memory_space<vmem>> -> memref<1x128xi32, #tpu.memory_space<vmem>>
        %dma_start3A_68 = tpu.memref_squeeze %dma_start3A_67 : memref<1x128xi32, #tpu.memory_space<vmem>> -> memref<128xi32, #tpu.memory_space<vmem>>
        %dma_start3A_69 = arith.constant 0 : i32
        %dma_start3A_70 = tpu.memref_slice %arg7[%dma_start3A_69] : memref<10240xf32, #tpu.memory_space<vmem_shared>> -> memref<10240xf32, #tpu.memory_space<vmem_shared>>
        tpu.enqueue_indirect_dma source(%arg6 : memref<128xf32, #tpu.memory_space<vmem>>) target(%dma_start3A_70 : memref<10240xf32, #tpu.memory_space<vmem_shared>>) offsets(%dma_start3A_68 : memref<128xi32, #tpu.memory_space<vmem>>) semaphore(%run_scoped3A_66 : memref<!tpu.dma_semaphore, #tpu.memory_space<semaphore_mem>>) {add = true}
        %dma_wait3A = arith.constant 0 : i32
        %dma_wait3A_71 = tpu.memref_slice %arg5[%run_scoped3A, %dma_wait3A] : memref<2x128xi32, #tpu.memory_space<vmem>> -> memref<1x128xi32, #tpu.memory_space<vmem>>
        %dma_wait3A_72 = tpu.memref_squeeze %dma_wait3A_71 : memref<1x128xi32, #tpu.memory_space<vmem>> -> memref<128xi32, #tpu.memory_space<vmem>>
        %dma_wait3A_73 = arith.constant 0 : i32
        %dma_wait3A_74 = tpu.memref_slice %arg7[%dma_wait3A_73] : memref<10240xf32, #tpu.memory_space<vmem_shared>> -> memref<10240xf32, #tpu.memory_space<vmem_shared>>
        tpu.wait_indirect_dma semaphore(%run_scoped3A_66 : memref<!tpu.dma_semaphore, #tpu.memory_space<semaphore_mem>>) src(%arg6 : memref<128xf32, #tpu.memory_space<vmem>>) dst(%dma_wait3A_74 : memref<10240xf32, #tpu.memory_space<vmem_shared>>)
        tpu.yield
      }) : () -> ()
    }
    %scan3A_53 = arith.constant 79 : i32
    %barrier3A_54 = arith.constant 0 : index
    tpu.barrier barrier_id(%barrier3A_54)
    %mul3A_55 = arith.constant 10240 : i32
    %mul3A_56 = arith.muli %arg0, %mul3A_55 : i32
    %mul3A_57 = arith.constant 640 : i32
    %mul3A_58 = arith.muli %arg1, %mul3A_57 : i32
    %add3A_59 = arith.addi %mul3A_56, %mul3A_58 : i32
    %multiple_of3A = tpu.assume_multiple %add3A_59, 640 : i32
    %mul3A_60 = arith.constant 640 : i32
    %mul3A_61 = arith.muli %arg1, %mul3A_60 : i32
    "tpu.region"() ({
      %run_scoped3A = tpu.sem_alloc : memref<!tpu.dma_semaphore, #tpu.memory_space<semaphore_mem>>
      %dma_start3A = tpu.memref_slice %arg4[%multiple_of3A] : memref<20480xf32, #tpu.memory_space<hbm>> -> memref<640xf32, #tpu.memory_space<hbm>>
      %dma_start3A_62 = tpu.memref_slice %arg7[%mul3A_61] : memref<10240xf32, #tpu.memory_space<vmem_shared>> -> memref<640xf32, #tpu.memory_space<vmem_shared>>
      tpu.enqueue_dma source(%dma_start3A_62 : memref<640xf32, #tpu.memory_space<vmem_shared>>) target(%dma_start3A : memref<640xf32, #tpu.memory_space<hbm>>) target_semaphore(%run_scoped3A : memref<!tpu.dma_semaphore, #tpu.memory_space<semaphore_mem>>)
      %dma_wait3A = tpu.memref_slice %arg4[%multiple_of3A] : memref<20480xf32, #tpu.memory_space<hbm>> -> memref<640xf32, #tpu.memory_space<hbm>>
      %dma_wait3A_63 = tpu.memref_slice %arg7[%mul3A_61] : memref<10240xf32, #tpu.memory_space<vmem_shared>> -> memref<640xf32, #tpu.memory_space<vmem_shared>>
      tpu.wait_dma2 semaphore(%run_scoped3A : memref<!tpu.dma_semaphore, #tpu.memory_space<semaphore_mem>>) src(%dma_wait3A_63 : memref<640xf32, #tpu.memory_space<vmem_shared>>) dst(%dma_wait3A : memref<640xf32, #tpu.memory_space<hbm>>)
      tpu.yield
    }) : () -> ()
    return
  }
}

#map = affine_map<(d0, d1) -> (0, 0, 0)>
#map1 = affine_map<(d0, d1) -> (0, 0)>
module attributes {stable_mosaic.version = 14 : i64} {
  func.func @_sc_agg16_body(%arg0: i32, %arg1: i32, %arg2: memref<2528x2x128xi32, #tpu.memory_space<hbm>>, %arg3: memref<10000x16xf32, #tpu.memory_space<hbm>>, %arg4: memref<10240x16xf32, #tpu.memory_space<hbm>>, %arg5: memref<20480x16xf32, #tpu.memory_space<hbm>>, %arg6: memref<2x128xi32, #tpu.memory_space<vmem>>, %arg7: memref<128x16xf32, #tpu.memory_space<vmem>>, %arg8: memref<10240x16xf32, #tpu.memory_space<vmem_shared>>, %arg9: memref<!tpu.dma_semaphore, #tpu.memory_space<semaphore_mem>>) attributes {dimension_semantics = [#tpu.dimension_semantics<core_parallel>, #tpu.dimension_semantics<subcore_parallel>], iteration_bounds = array<i64: 2, 16>, scalar_prefetch = 0 : i64, scratch_operands = 4 : i64, tpu.core_type = #tpu.core_type<sc_vector_subcore>, window_params = [{transform_indices = #map}, {transform_indices = #map1}, {transform_indices = #map1}, {transform_indices = #map1}]} {
    %mul3A = arith.constant 2 : i32
    %mul3A_0 = arith.muli %arg1, %mul3A : i32
    %add3A = arith.addi %mul3A_0, %arg0 : i32
    %eq3A = arith.constant 0 : i32
    %eq3A_1 = arith.cmpi eq, %arg1, %eq3A : i32
    %convert_element_type3A = arith.extui %eq3A_1 : i1 to i32
    %cond3A = arith.constant 0 : i32
    %cond3A_2 = arith.cmpi ne, %convert_element_type3A, %cond3A : i32
    scf.if %cond3A_2 {
      "tpu.region"() ({
        %run_scoped3A = tpu.sem_alloc : memref<!tpu.dma_semaphore, #tpu.memory_space<semaphore_mem>>
        tpu.enqueue_dma source(%arg4 : memref<10240x16xf32, #tpu.memory_space<hbm>>) target(%arg8 : memref<10240x16xf32, #tpu.memory_space<vmem_shared>>) target_semaphore(%run_scoped3A : memref<!tpu.dma_semaphore, #tpu.memory_space<semaphore_mem>>)
        tpu.wait_dma2 semaphore(%run_scoped3A : memref<!tpu.dma_semaphore, #tpu.memory_space<semaphore_mem>>) src(%arg4 : memref<10240x16xf32, #tpu.memory_space<hbm>>) dst(%arg8 : memref<10240x16xf32, #tpu.memory_space<vmem_shared>>)
        tpu.yield
      }) : () -> ()
    } else {
    }
    %barrier3A = arith.constant 0 : index
    tpu.barrier barrier_id(%barrier3A)
    %scan3A = arith.constant 0 : i32
    %scan3A_3 = arith.constant 0 : i32
    %scan3A_4 = arith.constant 79 : i32
    %scan3A_5 = arith.addi %scan3A_3, %scan3A_4 : i32
    %scan3A_6 = arith.constant 1 : i32
    scf.for %scan3A_16 = %scan3A_3 to %scan3A_5 step %scan3A_6  : i32 {
      %mul3A_17 = arith.constant 79 : i32
      %mul3A_18 = arith.muli %add3A, %mul3A_17 : i32
      %add3A_19 = arith.addi %mul3A_18, %scan3A_16 : i32
      "tpu.region"() ({
        %run_scoped3A_32 = tpu.sem_alloc : memref<!tpu.dma_semaphore, #tpu.memory_space<semaphore_mem>>
        %dma_start3A_33 = arith.constant 0 : i32
        %dma_start3A_34 = arith.constant 0 : i32
        %dma_start3A_35 = tpu.memref_slice %arg2[%add3A_19, %dma_start3A_33, %dma_start3A_34] : memref<2528x2x128xi32, #tpu.memory_space<hbm>> -> memref<1x2x128xi32, #tpu.memory_space<hbm>>
        %dma_start3A_36 = tpu.memref_squeeze %dma_start3A_35 : memref<1x2x128xi32, #tpu.memory_space<hbm>> -> memref<2x128xi32, #tpu.memory_space<hbm>>
        %dma_start3A_37 = arith.constant 0 : i32
        %dma_start3A_38 = arith.constant 0 : i32
        %dma_start3A_39 = tpu.memref_slice %arg2[%add3A_19, %dma_start3A_37, %dma_start3A_38] : memref<2528x2x128xi32, #tpu.memory_space<hbm>> -> memref<1x2x128xi32, #tpu.memory_space<hbm>>
        %dma_start3A_40 = tpu.memref_squeeze %dma_start3A_39 : memref<1x2x128xi32, #tpu.memory_space<hbm>> -> memref<2x128xi32, #tpu.memory_space<hbm>>
        tpu.enqueue_dma source(%dma_start3A_40 : memref<2x128xi32, #tpu.memory_space<hbm>>) target(%arg6 : memref<2x128xi32, #tpu.memory_space<vmem>>) target_semaphore(%run_scoped3A_32 : memref<!tpu.dma_semaphore, #tpu.memory_space<semaphore_mem>>)
        %dma_wait3A_41 = arith.constant 0 : i32
        %dma_wait3A_42 = arith.constant 0 : i32
        %dma_wait3A_43 = tpu.memref_slice %arg2[%add3A_19, %dma_wait3A_41, %dma_wait3A_42] : memref<2528x2x128xi32, #tpu.memory_space<hbm>> -> memref<1x2x128xi32, #tpu.memory_space<hbm>>
        %dma_wait3A_44 = tpu.memref_squeeze %dma_wait3A_43 : memref<1x2x128xi32, #tpu.memory_space<hbm>> -> memref<2x128xi32, #tpu.memory_space<hbm>>
        %dma_wait3A_45 = arith.constant 0 : i32
        %dma_wait3A_46 = arith.constant 0 : i32
        %dma_wait3A_47 = tpu.memref_slice %arg2[%add3A_19, %dma_wait3A_45, %dma_wait3A_46] : memref<2528x2x128xi32, #tpu.memory_space<hbm>> -> memref<1x2x128xi32, #tpu.memory_space<hbm>>
        %dma_wait3A_48 = tpu.memref_squeeze %dma_wait3A_47 : memref<1x2x128xi32, #tpu.memory_space<hbm>> -> memref<2x128xi32, #tpu.memory_space<hbm>>
        tpu.wait_dma2 semaphore(%run_scoped3A_32 : memref<!tpu.dma_semaphore, #tpu.memory_space<semaphore_mem>>) src(%dma_wait3A_48 : memref<2x128xi32, #tpu.memory_space<hbm>>) dst(%arg6 : memref<2x128xi32, #tpu.memory_space<vmem>>)
        tpu.yield
      }) : () -> ()
      %dma_start3A = arith.constant 0 : i32
      %dma_start3A_20 = arith.constant 0 : i32
      %dma_start3A_21 = tpu.memref_slice %arg6[%dma_start3A, %dma_start3A_20] : memref<2x128xi32, #tpu.memory_space<vmem>> -> memref<1x128xi32, #tpu.memory_space<vmem>>
      %dma_start3A_22 = tpu.memref_squeeze %dma_start3A_21 : memref<1x128xi32, #tpu.memory_space<vmem>> -> memref<128xi32, #tpu.memory_space<vmem>>
      %dma_start3A_23 = arith.constant 0 : i32
      %dma_start3A_24 = arith.constant 0 : i32
      %dma_start3A_25 = tpu.memref_slice %arg3[%dma_start3A_23, %dma_start3A_24] : memref<10000x16xf32, #tpu.memory_space<hbm>> -> memref<10000x16xf32, #tpu.memory_space<hbm>>
      tpu.enqueue_indirect_dma source(%dma_start3A_25 : memref<10000x16xf32, #tpu.memory_space<hbm>>) target(%arg7 : memref<128x16xf32, #tpu.memory_space<vmem>>) offsets(%dma_start3A_22 : memref<128xi32, #tpu.memory_space<vmem>>) semaphore(%arg9 : memref<!tpu.dma_semaphore, #tpu.memory_space<semaphore_mem>>)
      %dma_wait3A = arith.constant 0 : i32
      %dma_wait3A_26 = arith.constant 0 : i32
      %dma_wait3A_27 = tpu.memref_slice %arg6[%dma_wait3A, %dma_wait3A_26] : memref<2x128xi32, #tpu.memory_space<vmem>> -> memref<1x128xi32, #tpu.memory_space<vmem>>
      %dma_wait3A_28 = tpu.memref_squeeze %dma_wait3A_27 : memref<1x128xi32, #tpu.memory_space<vmem>> -> memref<128xi32, #tpu.memory_space<vmem>>
      %dma_wait3A_29 = arith.constant 0 : i32
      %dma_wait3A_30 = arith.constant 0 : i32
      %dma_wait3A_31 = tpu.memref_slice %arg3[%dma_wait3A_29, %dma_wait3A_30] : memref<10000x16xf32, #tpu.memory_space<hbm>> -> memref<10000x16xf32, #tpu.memory_space<hbm>>
      tpu.wait_indirect_dma semaphore(%arg9 : memref<!tpu.dma_semaphore, #tpu.memory_space<semaphore_mem>>) src(%dma_wait3A_31 : memref<10000x16xf32, #tpu.memory_space<hbm>>) dst(%arg7 : memref<128x16xf32, #tpu.memory_space<vmem>>)
      %run_scoped3A = arith.constant 1 : i32
      "tpu.region"() ({
        %run_scoped3A_32 = tpu.sem_alloc : memref<!tpu.dma_semaphore, #tpu.memory_space<semaphore_mem>>
        %dma_start3A_33 = arith.constant 0 : i32
        %dma_start3A_34 = tpu.memref_slice %arg6[%run_scoped3A, %dma_start3A_33] : memref<2x128xi32, #tpu.memory_space<vmem>> -> memref<1x128xi32, #tpu.memory_space<vmem>>
        %dma_start3A_35 = tpu.memref_squeeze %dma_start3A_34 : memref<1x128xi32, #tpu.memory_space<vmem>> -> memref<128xi32, #tpu.memory_space<vmem>>
        %dma_start3A_36 = arith.constant 0 : i32
        %dma_start3A_37 = arith.constant 0 : i32
        %dma_start3A_38 = tpu.memref_slice %arg8[%dma_start3A_36, %dma_start3A_37] : memref<10240x16xf32, #tpu.memory_space<vmem_shared>> -> memref<10240x16xf32, #tpu.memory_space<vmem_shared>>
        tpu.enqueue_indirect_dma source(%arg7 : memref<128x16xf32, #tpu.memory_space<vmem>>) target(%dma_start3A_38 : memref<10240x16xf32, #tpu.memory_space<vmem_shared>>) offsets(%dma_start3A_35 : memref<128xi32, #tpu.memory_space<vmem>>) semaphore(%run_scoped3A_32 : memref<!tpu.dma_semaphore, #tpu.memory_space<semaphore_mem>>) {add = true}
        %dma_wait3A_39 = arith.constant 0 : i32
        %dma_wait3A_40 = tpu.memref_slice %arg6[%run_scoped3A, %dma_wait3A_39] : memref<2x128xi32, #tpu.memory_space<vmem>> -> memref<1x128xi32, #tpu.memory_space<vmem>>
        %dma_wait3A_41 = tpu.memref_squeeze %dma_wait3A_40 : memref<1x128xi32, #tpu.memory_space<vmem>> -> memref<128xi32, #tpu.memory_space<vmem>>
        %dma_wait3A_42 = arith.constant 0 : i32
        %dma_wait3A_43 = arith.constant 0 : i32
        %dma_wait3A_44 = tpu.memref_slice %arg8[%dma_wait3A_42, %dma_wait3A_43] : memref<10240x16xf32, #tpu.memory_space<vmem_shared>> -> memref<10240x16xf32, #tpu.memory_space<vmem_shared>>
        tpu.wait_indirect_dma semaphore(%run_scoped3A_32 : memref<!tpu.dma_semaphore, #tpu.memory_space<semaphore_mem>>) src(%arg7 : memref<128x16xf32, #tpu.memory_space<vmem>>) dst(%dma_wait3A_44 : memref<10240x16xf32, #tpu.memory_space<vmem_shared>>)
        tpu.yield
      }) : () -> ()
    }
    %scan3A_7 = arith.constant 79 : i32
    %barrier3A_8 = arith.constant 0 : index
    tpu.barrier barrier_id(%barrier3A_8)
    %mul3A_9 = arith.constant 10240 : i32
    %mul3A_10 = arith.muli %arg0, %mul3A_9 : i32
    %mul3A_11 = arith.constant 640 : i32
    %mul3A_12 = arith.muli %arg1, %mul3A_11 : i32
    %add3A_13 = arith.addi %mul3A_10, %mul3A_12 : i32
    %multiple_of3A = tpu.assume_multiple %add3A_13, 640 : i32
    %mul3A_14 = arith.constant 640 : i32
    %mul3A_15 = arith.muli %arg1, %mul3A_14 : i32
    "tpu.region"() ({
      %run_scoped3A = tpu.sem_alloc : memref<!tpu.dma_semaphore, #tpu.memory_space<semaphore_mem>>
      %dma_start3A = arith.constant 0 : i32
      %dma_start3A_16 = tpu.memref_slice %arg5[%multiple_of3A, %dma_start3A] : memref<20480x16xf32, #tpu.memory_space<hbm>> -> memref<640x16xf32, #tpu.memory_space<hbm>>
      %dma_start3A_17 = arith.constant 0 : i32
      %dma_start3A_18 = tpu.memref_slice %arg8[%mul3A_15, %dma_start3A_17] : memref<10240x16xf32, #tpu.memory_space<vmem_shared>> -> memref<640x16xf32, #tpu.memory_space<vmem_shared>>
      tpu.enqueue_dma source(%dma_start3A_18 : memref<640x16xf32, #tpu.memory_space<vmem_shared>>) target(%dma_start3A_16 : memref<640x16xf32, #tpu.memory_space<hbm>>) target_semaphore(%run_scoped3A : memref<!tpu.dma_semaphore, #tpu.memory_space<semaphore_mem>>)
      %dma_wait3A = arith.constant 0 : i32
      %dma_wait3A_19 = tpu.memref_slice %arg5[%multiple_of3A, %dma_wait3A] : memref<20480x16xf32, #tpu.memory_space<hbm>> -> memref<640x16xf32, #tpu.memory_space<hbm>>
      %dma_wait3A_20 = arith.constant 0 : i32
      %dma_wait3A_21 = tpu.memref_slice %arg8[%mul3A_15, %dma_wait3A_20] : memref<10240x16xf32, #tpu.memory_space<vmem_shared>> -> memref<640x16xf32, #tpu.memory_space<vmem_shared>>
      tpu.wait_dma2 semaphore(%run_scoped3A : memref<!tpu.dma_semaphore, #tpu.memory_space<semaphore_mem>>) src(%dma_wait3A_21 : memref<640x16xf32, #tpu.memory_space<vmem_shared>>) dst(%dma_wait3A_19 : memref<640x16xf32, #tpu.memory_space<hbm>>)
      tpu.yield
    }) : () -> ()
    return
  }
}

#map = affine_map<(d0, d1) -> (0, 0, 0)>
#map1 = affine_map<(d0, d1) -> (0)>
module attributes {stable_mosaic.version = 14 : i64} {
  func.func @_sc_agg1_body(%arg0: i32, %arg1: i32, %arg2: memref<2528x2x128xi32, #tpu.memory_space<hbm>>, %arg3: memref<10000xf32, #tpu.memory_space<hbm>>, %arg4: memref<10240xf32, #tpu.memory_space<hbm>>, %arg5: memref<20480xf32, #tpu.memory_space<hbm>>, %arg6: memref<2x128xi32, #tpu.memory_space<vmem>>, %arg7: memref<128xf32, #tpu.memory_space<vmem>>, %arg8: memref<10240xf32, #tpu.memory_space<vmem_shared>>, %arg9: memref<!tpu.dma_semaphore, #tpu.memory_space<semaphore_mem>>) attributes {dimension_semantics = [#tpu.dimension_semantics<core_parallel>, #tpu.dimension_semantics<subcore_parallel>], iteration_bounds = array<i64: 2, 16>, scalar_prefetch = 0 : i64, scratch_operands = 4 : i64, tpu.core_type = #tpu.core_type<sc_vector_subcore>, window_params = [{transform_indices = #map}, {transform_indices = #map1}, {transform_indices = #map1}, {transform_indices = #map1}]} {
    %mul3A = arith.constant 2 : i32
    %mul3A_0 = arith.muli %arg1, %mul3A : i32
    %add3A = arith.addi %mul3A_0, %arg0 : i32
    %eq3A = arith.constant 0 : i32
    %eq3A_1 = arith.cmpi eq, %arg1, %eq3A : i32
    %convert_element_type3A = arith.extui %eq3A_1 : i1 to i32
    %cond3A = arith.constant 0 : i32
    %cond3A_2 = arith.cmpi ne, %convert_element_type3A, %cond3A : i32
    scf.if %cond3A_2 {
      "tpu.region"() ({
        %run_scoped3A = tpu.sem_alloc : memref<!tpu.dma_semaphore, #tpu.memory_space<semaphore_mem>>
        tpu.enqueue_dma source(%arg4 : memref<10240xf32, #tpu.memory_space<hbm>>) target(%arg8 : memref<10240xf32, #tpu.memory_space<vmem_shared>>) target_semaphore(%run_scoped3A : memref<!tpu.dma_semaphore, #tpu.memory_space<semaphore_mem>>)
        tpu.wait_dma2 semaphore(%run_scoped3A : memref<!tpu.dma_semaphore, #tpu.memory_space<semaphore_mem>>) src(%arg4 : memref<10240xf32, #tpu.memory_space<hbm>>) dst(%arg8 : memref<10240xf32, #tpu.memory_space<vmem_shared>>)
        tpu.yield
      }) : () -> ()
    } else {
    }
    %barrier3A = arith.constant 0 : index
    tpu.barrier barrier_id(%barrier3A)
    %scan3A = arith.constant 0 : i32
    %scan3A_3 = arith.constant 0 : i32
    %scan3A_4 = arith.constant 79 : i32
    %scan3A_5 = arith.addi %scan3A_3, %scan3A_4 : i32
    %scan3A_6 = arith.constant 1 : i32
    scf.for %scan3A_16 = %scan3A_3 to %scan3A_5 step %scan3A_6  : i32 {
      %mul3A_17 = arith.constant 79 : i32
      %mul3A_18 = arith.muli %add3A, %mul3A_17 : i32
      %add3A_19 = arith.addi %mul3A_18, %scan3A_16 : i32
      "tpu.region"() ({
        %run_scoped3A_30 = tpu.sem_alloc : memref<!tpu.dma_semaphore, #tpu.memory_space<semaphore_mem>>
        %dma_start3A_31 = arith.constant 0 : i32
        %dma_start3A_32 = arith.constant 0 : i32
        %dma_start3A_33 = tpu.memref_slice %arg2[%add3A_19, %dma_start3A_31, %dma_start3A_32] : memref<2528x2x128xi32, #tpu.memory_space<hbm>> -> memref<1x2x128xi32, #tpu.memory_space<hbm>>
        %dma_start3A_34 = tpu.memref_squeeze %dma_start3A_33 : memref<1x2x128xi32, #tpu.memory_space<hbm>> -> memref<2x128xi32, #tpu.memory_space<hbm>>
        %dma_start3A_35 = arith.constant 0 : i32
        %dma_start3A_36 = arith.constant 0 : i32
        %dma_start3A_37 = tpu.memref_slice %arg2[%add3A_19, %dma_start3A_35, %dma_start3A_36] : memref<2528x2x128xi32, #tpu.memory_space<hbm>> -> memref<1x2x128xi32, #tpu.memory_space<hbm>>
        %dma_start3A_38 = tpu.memref_squeeze %dma_start3A_37 : memref<1x2x128xi32, #tpu.memory_space<hbm>> -> memref<2x128xi32, #tpu.memory_space<hbm>>
        tpu.enqueue_dma source(%dma_start3A_38 : memref<2x128xi32, #tpu.memory_space<hbm>>) target(%arg6 : memref<2x128xi32, #tpu.memory_space<vmem>>) target_semaphore(%run_scoped3A_30 : memref<!tpu.dma_semaphore, #tpu.memory_space<semaphore_mem>>)
        %dma_wait3A_39 = arith.constant 0 : i32
        %dma_wait3A_40 = arith.constant 0 : i32
        %dma_wait3A_41 = tpu.memref_slice %arg2[%add3A_19, %dma_wait3A_39, %dma_wait3A_40] : memref<2528x2x128xi32, #tpu.memory_space<hbm>> -> memref<1x2x128xi32, #tpu.memory_space<hbm>>
        %dma_wait3A_42 = tpu.memref_squeeze %dma_wait3A_41 : memref<1x2x128xi32, #tpu.memory_space<hbm>> -> memref<2x128xi32, #tpu.memory_space<hbm>>
        %dma_wait3A_43 = arith.constant 0 : i32
        %dma_wait3A_44 = arith.constant 0 : i32
        %dma_wait3A_45 = tpu.memref_slice %arg2[%add3A_19, %dma_wait3A_43, %dma_wait3A_44] : memref<2528x2x128xi32, #tpu.memory_space<hbm>> -> memref<1x2x128xi32, #tpu.memory_space<hbm>>
        %dma_wait3A_46 = tpu.memref_squeeze %dma_wait3A_45 : memref<1x2x128xi32, #tpu.memory_space<hbm>> -> memref<2x128xi32, #tpu.memory_space<hbm>>
        tpu.wait_dma2 semaphore(%run_scoped3A_30 : memref<!tpu.dma_semaphore, #tpu.memory_space<semaphore_mem>>) src(%dma_wait3A_46 : memref<2x128xi32, #tpu.memory_space<hbm>>) dst(%arg6 : memref<2x128xi32, #tpu.memory_space<vmem>>)
        tpu.yield
      }) : () -> ()
      %dma_start3A = arith.constant 0 : i32
      %dma_start3A_20 = arith.constant 0 : i32
      %dma_start3A_21 = tpu.memref_slice %arg6[%dma_start3A, %dma_start3A_20] : memref<2x128xi32, #tpu.memory_space<vmem>> -> memref<1x128xi32, #tpu.memory_space<vmem>>
      %dma_start3A_22 = tpu.memref_squeeze %dma_start3A_21 : memref<1x128xi32, #tpu.memory_space<vmem>> -> memref<128xi32, #tpu.memory_space<vmem>>
      %dma_start3A_23 = arith.constant 0 : i32
      %dma_start3A_24 = tpu.memref_slice %arg3[%dma_start3A_23] : memref<10000xf32, #tpu.memory_space<hbm>> -> memref<10000xf32, #tpu.memory_space<hbm>>
      tpu.enqueue_indirect_dma source(%dma_start3A_24 : memref<10000xf32, #tpu.memory_space<hbm>>) target(%arg7 : memref<128xf32, #tpu.memory_space<vmem>>) offsets(%dma_start3A_22 : memref<128xi32, #tpu.memory_space<vmem>>) semaphore(%arg9 : memref<!tpu.dma_semaphore, #tpu.memory_space<semaphore_mem>>)
      %dma_wait3A = arith.constant 0 : i32
      %dma_wait3A_25 = arith.constant 0 : i32
      %dma_wait3A_26 = tpu.memref_slice %arg6[%dma_wait3A, %dma_wait3A_25] : memref<2x128xi32, #tpu.memory_space<vmem>> -> memref<1x128xi32, #tpu.memory_space<vmem>>
      %dma_wait3A_27 = tpu.memref_squeeze %dma_wait3A_26 : memref<1x128xi32, #tpu.memory_space<vmem>> -> memref<128xi32, #tpu.memory_space<vmem>>
      %dma_wait3A_28 = arith.constant 0 : i32
      %dma_wait3A_29 = tpu.memref_slice %arg3[%dma_wait3A_28] : memref<10000xf32, #tpu.memory_space<hbm>> -> memref<10000xf32, #tpu.memory_space<hbm>>
      tpu.wait_indirect_dma semaphore(%arg9 : memref<!tpu.dma_semaphore, #tpu.memory_space<semaphore_mem>>) src(%dma_wait3A_29 : memref<10000xf32, #tpu.memory_space<hbm>>) dst(%arg7 : memref<128xf32, #tpu.memory_space<vmem>>)
      %run_scoped3A = arith.constant 1 : i32
      "tpu.region"() ({
        %run_scoped3A_30 = tpu.sem_alloc : memref<!tpu.dma_semaphore, #tpu.memory_space<semaphore_mem>>
        %dma_start3A_31 = arith.constant 0 : i32
        %dma_start3A_32 = tpu.memref_slice %arg6[%run_scoped3A, %dma_start3A_31] : memref<2x128xi32, #tpu.memory_space<vmem>> -> memref<1x128xi32, #tpu.memory_space<vmem>>
        %dma_start3A_33 = tpu.memref_squeeze %dma_start3A_32 : memref<1x128xi32, #tpu.memory_space<vmem>> -> memref<128xi32, #tpu.memory_space<vmem>>
        %dma_start3A_34 = arith.constant 0 : i32
        %dma_start3A_35 = tpu.memref_slice %arg8[%dma_start3A_34] : memref<10240xf32, #tpu.memory_space<vmem_shared>> -> memref<10240xf32, #tpu.memory_space<vmem_shared>>
        tpu.enqueue_indirect_dma source(%arg7 : memref<128xf32, #tpu.memory_space<vmem>>) target(%dma_start3A_35 : memref<10240xf32, #tpu.memory_space<vmem_shared>>) offsets(%dma_start3A_33 : memref<128xi32, #tpu.memory_space<vmem>>) semaphore(%run_scoped3A_30 : memref<!tpu.dma_semaphore, #tpu.memory_space<semaphore_mem>>) {add = true}
        %dma_wait3A_36 = arith.constant 0 : i32
        %dma_wait3A_37 = tpu.memref_slice %arg6[%run_scoped3A, %dma_wait3A_36] : memref<2x128xi32, #tpu.memory_space<vmem>> -> memref<1x128xi32, #tpu.memory_space<vmem>>
        %dma_wait3A_38 = tpu.memref_squeeze %dma_wait3A_37 : memref<1x128xi32, #tpu.memory_space<vmem>> -> memref<128xi32, #tpu.memory_space<vmem>>
        %dma_wait3A_39 = arith.constant 0 : i32
        %dma_wait3A_40 = tpu.memref_slice %arg8[%dma_wait3A_39] : memref<10240xf32, #tpu.memory_space<vmem_shared>> -> memref<10240xf32, #tpu.memory_space<vmem_shared>>
        tpu.wait_indirect_dma semaphore(%run_scoped3A_30 : memref<!tpu.dma_semaphore, #tpu.memory_space<semaphore_mem>>) src(%arg7 : memref<128xf32, #tpu.memory_space<vmem>>) dst(%dma_wait3A_40 : memref<10240xf32, #tpu.memory_space<vmem_shared>>)
        tpu.yield
      }) : () -> ()
    }
    %scan3A_7 = arith.constant 79 : i32
    %barrier3A_8 = arith.constant 0 : index
    tpu.barrier barrier_id(%barrier3A_8)
    %mul3A_9 = arith.constant 10240 : i32
    %mul3A_10 = arith.muli %arg0, %mul3A_9 : i32
    %mul3A_11 = arith.constant 640 : i32
    %mul3A_12 = arith.muli %arg1, %mul3A_11 : i32
    %add3A_13 = arith.addi %mul3A_10, %mul3A_12 : i32
    %multiple_of3A = tpu.assume_multiple %add3A_13, 640 : i32
    %mul3A_14 = arith.constant 640 : i32
    %mul3A_15 = arith.muli %arg1, %mul3A_14 : i32
    "tpu.region"() ({
      %run_scoped3A = tpu.sem_alloc : memref<!tpu.dma_semaphore, #tpu.memory_space<semaphore_mem>>
      %dma_start3A = tpu.memref_slice %arg5[%multiple_of3A] : memref<20480xf32, #tpu.memory_space<hbm>> -> memref<640xf32, #tpu.memory_space<hbm>>
      %dma_start3A_16 = tpu.memref_slice %arg8[%mul3A_15] : memref<10240xf32, #tpu.memory_space<vmem_shared>> -> memref<640xf32, #tpu.memory_space<vmem_shared>>
      tpu.enqueue_dma source(%dma_start3A_16 : memref<640xf32, #tpu.memory_space<vmem_shared>>) target(%dma_start3A : memref<640xf32, #tpu.memory_space<hbm>>) target_semaphore(%run_scoped3A : memref<!tpu.dma_semaphore, #tpu.memory_space<semaphore_mem>>)
      %dma_wait3A = tpu.memref_slice %arg5[%multiple_of3A] : memref<20480xf32, #tpu.memory_space<hbm>> -> memref<640xf32, #tpu.memory_space<hbm>>
      %dma_wait3A_17 = tpu.memref_slice %arg8[%mul3A_15] : memref<10240xf32, #tpu.memory_space<vmem_shared>> -> memref<640xf32, #tpu.memory_space<vmem_shared>>
      tpu.wait_dma2 semaphore(%run_scoped3A : memref<!tpu.dma_semaphore, #tpu.memory_space<semaphore_mem>>) src(%dma_wait3A_17 : memref<640xf32, #tpu.memory_space<vmem_shared>>) dst(%dma_wait3A : memref<640xf32, #tpu.memory_space<hbm>>)
      tpu.yield
    }) : () -> ()
    return
  }
}

module attributes {stable_mosaic.version = 14 : i64} {
  func.func @_tc_stage1_body(%arg0: memref<10000x128xf32, #tpu.memory_space<vmem>>, %arg1: memref<128x16xf32, #tpu.memory_space<vmem>>, %arg2: memref<10000x1xf32, #tpu.memory_space<vmem>>, %arg3: memref<10000x1xf32, #tpu.memory_space<vmem>>, %arg4: memref<10000x1xf32, #tpu.memory_space<vmem>>, %arg5: memref<10000x16xf32, #tpu.memory_space<vmem>>) attributes {dimension_semantics = [], scalar_prefetch = 0 : i64, scratch_operands = 0 : i64, tpu.core_type = #tpu.core_type<tc>} {
    %get3A = arith.constant 0 : index
    %get3A_0 = arith.constant 0 : index
    %get3A_1 = vector.load %arg2[%get3A, %get3A_0] : memref<10000x1xf32, #tpu.memory_space<vmem>>, vector<10000x1xf32>
    %get3A_2 = arith.constant 0 : index
    %get3A_3 = arith.constant 0 : index
    %get3A_4 = vector.load %arg3[%get3A_2, %get3A_3] : memref<10000x1xf32, #tpu.memory_space<vmem>>, vector<10000x1xf32>
    %add3A = arith.addf %get3A_1, %get3A_4 : vector<10000x1xf32>
    %add3A_5 = arith.constant 1.000000e+00 : f32
    %add3A_6 = vector.broadcast %add3A_5 : f32 to vector<10000x1xf32>
    %add3A_7 = arith.addf %add3A, %add3A_6 : vector<10000x1xf32>
    %rsqrt3A = math.rsqrt %add3A_7 : vector<10000x1xf32>
    %get3A_8 = arith.constant 0 : index
    %get3A_9 = arith.constant 0 : index
    %get3A_10 = vector.load %arg0[%get3A_8, %get3A_9] : memref<10000x128xf32, #tpu.memory_space<vmem>>, vector<10000x128xf32>
    %get3A_11 = arith.constant 0 : index
    %get3A_12 = arith.constant 0 : index
    %get3A_13 = vector.load %arg1[%get3A_11, %get3A_12] : memref<128x16xf32, #tpu.memory_space<vmem>>, vector<128x16xf32>
    %dot_general3A = arith.constant dense<0.000000e+00> : vector<10000x16xf32>
    %dot_general3A_14 = tpu.matmul %get3A_10, %get3A_13, %dot_general3A {dimension_numbers = #tpu.dot_dimension_numbers<[1], [0], [0], [1], [0, 0, 1, 1], [], []>, transpose_lhs_hint = false} : vector<10000x128xf32>, vector<128x16xf32>, vector<10000x16xf32> -> vector<10000x16xf32>
    %swap3A = arith.constant 0 : index
    %swap3A_15 = arith.constant 0 : index
    %swap3A_16 = vector.load %arg4[%swap3A, %swap3A_15] : memref<10000x1xf32, #tpu.memory_space<vmem>>, vector<10000x1xf32>
    tpu.vector_store %arg4[%swap3A, %swap3A_15], %rsqrt3A {strides = array<i32>} : memref<10000x1xf32, #tpu.memory_space<vmem>>, vector<10000x1xf32>,
    %mul3A = vector.broadcast %rsqrt3A : vector<10000x1xf32> to vector<10000x16xf32>
    %mul3A_17 = arith.mulf %dot_general3A_14, %mul3A : vector<10000x16xf32>
    %swap3A_18 = arith.constant 0 : index
    %swap3A_19 = arith.constant 0 : index
    %swap3A_20 = vector.load %arg5[%swap3A_18, %swap3A_19] : memref<10000x16xf32, #tpu.memory_space<vmem>>, vector<10000x16xf32>
    tpu.vector_store %arg5[%swap3A_18, %swap3A_19], %mul3A_17 {strides = array<i32>} : memref<10000x16xf32, #tpu.memory_space<vmem>>, vector<10000x16xf32>,
    return
  }
}

module attributes {stable_mosaic.version = 14 : i64} {
  func.func @_tc_stage2_body(%arg0: memref<10000x16xf32, #tpu.memory_space<vmem>>, %arg1: memref<10000x16xf32, #tpu.memory_space<vmem>>, %arg2: memref<10000x16xf32, #tpu.memory_space<vmem>>, %arg3: memref<10000x1xf32, #tpu.memory_space<vmem>>, %arg4: memref<1x16xf32, #tpu.memory_space<vmem>>, %arg5: memref<16x1xf32, #tpu.memory_space<vmem>>, %arg6: memref<10000x1xf32, #tpu.memory_space<vmem>>) attributes {dimension_semantics = [], scalar_prefetch = 0 : i64, scratch_operands = 0 : i64, tpu.core_type = #tpu.core_type<tc>} {
    %get3A = arith.constant 0 : index
    %get3A_0 = arith.constant 0 : index
    %get3A_1 = vector.load %arg3[%get3A, %get3A_0] : memref<10000x1xf32, #tpu.memory_space<vmem>>, vector<10000x1xf32>
    %get3A_2 = arith.constant 0 : index
    %get3A_3 = arith.constant 0 : index
    %get3A_4 = vector.load %arg0[%get3A_2, %get3A_3] : memref<10000x16xf32, #tpu.memory_space<vmem>>, vector<10000x16xf32>
    %get3A_5 = arith.constant 0 : index
    %get3A_6 = arith.constant 0 : index
    %get3A_7 = vector.load %arg1[%get3A_5, %get3A_6] : memref<10000x16xf32, #tpu.memory_space<vmem>>, vector<10000x16xf32>
    %add3A = arith.addf %get3A_4, %get3A_7 : vector<10000x16xf32>
    %get3A_8 = arith.constant 0 : index
    %get3A_9 = arith.constant 0 : index
    %get3A_10 = vector.load %arg2[%get3A_8, %get3A_9] : memref<10000x16xf32, #tpu.memory_space<vmem>>, vector<10000x16xf32>
    %add3A_11 = arith.addf %add3A, %get3A_10 : vector<10000x16xf32>
    %mul3A = vector.broadcast %get3A_1 : vector<10000x1xf32> to vector<10000x16xf32>
    %mul3A_12 = arith.mulf %mul3A, %add3A_11 : vector<10000x16xf32>
    %get3A_13 = arith.constant 0 : index
    %get3A_14 = arith.constant 0 : index
    %get3A_15 = vector.load %arg4[%get3A_13, %get3A_14] : memref<1x16xf32, #tpu.memory_space<vmem>>, vector<1x16xf32>
    %add3A_16 = vector.broadcast %get3A_15 : vector<1x16xf32> to vector<10000x16xf32>
    %add3A_17 = arith.addf %mul3A_12, %add3A_16 : vector<10000x16xf32>
    %max3A = arith.constant 0.000000e+00 : f32
    %max3A_18 = vector.broadcast %max3A : f32 to vector<10000x16xf32>
    %max3A_19 = arith.maximumf %add3A_17, %max3A_18 : vector<10000x16xf32>
    %get3A_20 = arith.constant 0 : index
    %get3A_21 = arith.constant 0 : index
    %get3A_22 = vector.load %arg5[%get3A_20, %get3A_21] : memref<16x1xf32, #tpu.memory_space<vmem>>, vector<16x1xf32>
    %dot_general3A = arith.constant dense<0.000000e+00> : vector<10000x1xf32>
    %dot_general3A_23 = tpu.matmul %max3A_19, %get3A_22, %dot_general3A {dimension_numbers = #tpu.dot_dimension_numbers<[1], [0], [0], [1], [0, 0, 1, 1], [], []>, transpose_lhs_hint = false} : vector<10000x16xf32>, vector<16x1xf32>, vector<10000x1xf32> -> vector<10000x1xf32>
    %mul3A_24 = arith.mulf %dot_general3A_23, %get3A_1 : vector<10000x1xf32>
    %swap3A = arith.constant 0 : index
    %swap3A_25 = arith.constant 0 : index
    %swap3A_26 = vector.load %arg6[%swap3A, %swap3A_25] : memref<10000x1xf32, #tpu.memory_space<vmem>>, vector<10000x1xf32>
    tpu.vector_store %arg6[%swap3A, %swap3A_25], %mul3A_24 {strides = array<i32>} : memref<10000x1xf32, #tpu.memory_space<vmem>>, vector<10000x1xf32>,
    return
  }
}

module attributes {stable_mosaic.version = 14 : i64} {
  func.func @_tc_stage3_body(%arg0: memref<10000x1xf32, #tpu.memory_space<vmem>>, %arg1: memref<10000x1xf32, #tpu.memory_space<vmem>>, %arg2: memref<10000x1xf32, #tpu.memory_space<vmem>>, %arg3: memref<10000x1xf32, #tpu.memory_space<vmem>>, %arg4: memref<1x1xf32, #tpu.memory_space<vmem>>, %arg5: memref<10000x1xf32, #tpu.memory_space<vmem>>) attributes {dimension_semantics = [], scalar_prefetch = 0 : i64, scratch_operands = 0 : i64, tpu.core_type = #tpu.core_type<tc>} {
    %get3A = arith.constant 0 : index
    %get3A_0 = arith.constant 0 : index
    %get3A_1 = vector.load %arg3[%get3A, %get3A_0] : memref<10000x1xf32, #tpu.memory_space<vmem>>, vector<10000x1xf32>
    %get3A_2 = arith.constant 0 : index
    %get3A_3 = arith.constant 0 : index
    %get3A_4 = vector.load %arg0[%get3A_2, %get3A_3] : memref<10000x1xf32, #tpu.memory_space<vmem>>, vector<10000x1xf32>
    %get3A_5 = arith.constant 0 : index
    %get3A_6 = arith.constant 0 : index
    %get3A_7 = vector.load %arg1[%get3A_5, %get3A_6] : memref<10000x1xf32, #tpu.memory_space<vmem>>, vector<10000x1xf32>
    %add3A = arith.addf %get3A_4, %get3A_7 : vector<10000x1xf32>
    %get3A_8 = arith.constant 0 : index
    %get3A_9 = arith.constant 0 : index
    %get3A_10 = vector.load %arg2[%get3A_8, %get3A_9] : memref<10000x1xf32, #tpu.memory_space<vmem>>, vector<10000x1xf32>
    %add3A_11 = arith.addf %add3A, %get3A_10 : vector<10000x1xf32>
    %mul3A = arith.mulf %get3A_1, %add3A_11 : vector<10000x1xf32>
    %get3A_12 = arith.constant 0 : index
    %get3A_13 = arith.constant 0 : index
    %get3A_14 = vector.load %arg4[%get3A_12, %get3A_13] : memref<1x1xf32, #tpu.memory_space<vmem>>, vector<1x1xf32>
    %add3A_15 = vector.broadcast %get3A_14 : vector<1x1xf32> to vector<10000x1xf32>
    %add3A_16 = arith.addf %mul3A, %add3A_15 : vector<10000x1xf32>
    %swap3A = arith.constant 0 : index
    %swap3A_17 = arith.constant 0 : index
    %swap3A_18 = vector.load %arg5[%swap3A, %swap3A_17] : memref<10000x1xf32, #tpu.memory_space<vmem>>, vector<10000x1xf32>
    tpu.vector_store %arg5[%swap3A, %swap3A_17], %add3A_16 {strides = array<i32>} : memref<10000x1xf32, #tpu.memory_space<vmem>>, vector<10000x1xf32>,
    return
  }
}

</mosaic_0001>

<sc_bundles>
// kernel: kernel.11.cloned.1.call-start
scs
__scs_entry_jumppad:
0x0: {  	(pc) =	sbr.rel $0x88, $3  }
0x1: {  	(tag) =	ssettag $0x0;
	lr =	simm.s32 $0x1  }
0x2: {  	[smem:$0x3F9B] =	sst lr;
	_ =	strace $0xD0000000  }
0x3: {  	_ = 	snop  }
0x4: {  	_ = 	snop  }
0x5: {  	_ = 	snop  }
0x6: {  	_ = 	snop  }
0x7: {  	_ = 	snop  }
__scs_overlays_trampoline_lowered:
0x8: {  	[smem:$0x3FAA] =	sst s0  }
0x9: {  	[smem:$0x3FAB] =	sst s1  }
0xa: {  	[smem:$0x3FAC] =	sst s2  }
0xb: {  	[smem:$0x3FAD] =	sst s3  }
0xc: {  	[smem:$0x3FAE] =	sst s4  }
0xd: {  	[smem:$0x3FAF] =	sst s5  }
0xe: {  	[smem:$0x3FB0] =	sst s6  }
0xf: {  	[smem:$0x3FB1] =	sst s7  }
0x10: {  	[smem:$0x3FB2] =	sst s8  }
0x11: {  	[smem:$0x3FB3] =	sst s9;
	s0 =	simm.s32 @!p0 $0x0  }
0x12: {  	s1 =	sld [smem:$0x3F99];
	s0 =	simm.s32 @p0 $0x1  }
0x13: {  	[smem:$0x3FB4] =	sst s0;
	s0 =	simm.s32 @!p1 $0x0  }
0x14: {  	s2 =	sld [smem:$0x3F98];
	s0 =	simm.s32 @p1 $0x1  }
0x15: {  	[smem:$0x3FB5] =	sst s0;
	s0 =	simm.s32 @!p2 $0x0  }
0x16: {  	s3 =	sld [smem:$0x3FDB];
	s0 =	simm.s32 @p2 $0x1  }
0x17: {  	s4 =	simm.s32 $0x1BF5;
	[smem:$0x3FB7] =	sst s0  }
0x18: {  	s0 =	sld [smem:$0x3F9A];
	_ =	swait.ge [sflag:s4], $0x0  }
0x19: {  	s7 =	sld [smem:$0x3F9B]  }
0x1a: {  	s8 =	sadd.s32 $0xFFFFE003, lr  }
0x1b: {  	s9 =	sadd.s32 $0xFFFFFEF7, lr;
	s5 =	simm.s32 $0xFFFFFFFF;
	p2 =	slt.u32 s8, $0xFFFFF086  }
0x1c: {  	p1 =	slt.u32 s9, $0xF7A;
	s5 =	simm.s32 @!p2 $0x0  }
0x1d: {  	s5 =	simm.s32 @p1 $0x1;
	p0 =	seq.s32 s7, s2  }
0x1e: {  	s7 =	smul.u32 @!p0 $0xF7A, s2;
	p2 =	seq.s32 @!p0 s5, $0x0  }
0x1f: {  	s9 =	smul.u32 $0xF7A, s1;
	s8 =	simm.s32 @!p0 $0x1BF5;
	p2 =	por !p2, p0  }
0x20: {  	[sflag:s8] =	ssyncset.s32 @!p0 $0xFFFFF086;
	s6 =	sadd.s32 @!p0 s3, s7;
	s7 =	simm.s32 @!p0 $0x108  }
0x21: {  	s3 =	sadd.s32 s3, s9;
	s6 =	sadd.s32 @!p0 $0x88, s6;
	s7 =	simm.s32 @p2 $0x1082  }
0x22: {  	[simem:s7], [sflag:s8] =	dma.local @!p0 [hbm:s6], $0xF7A  }
0x23: {  	s9 =	sor.u32 $0xD0000000, s2;
	s6 =	simm.s32 $0x108;
	_ =	swait.ge @!p0 [sflag:s8], $0x0  }
0x24: {  	s3 =	sadd.s32 $0x88, s3;
	s6 =	simm.s32 @!p1 $0x1082;
	[sflag:s4] =	ssyncset.s32 $0xFFFFF086  }
0x25: {  	[simem:s6], [sflag:s4] =	dma.local [hbm:s3], $0xF7A  }
0x26: {  	[smem:$0x3F9B] =	sst s1;
	(tag) =	ssettag s2;
	_ =	strace s9  }
0x27: {  	s1 =	sld [smem:$0x3FAB]  }
0x28: {  	s2 =	sld [smem:$0x3FAC]  }
0x29: {  	s4 =	sld [smem:$0x3FAE]  }
0x2a: {  	p0 =	seq.s32 s5, $0x0;
	s5 =	sld [smem:$0x3FAF]  }
0x2b: {  	s6 =	sld [smem:$0x3FB0]  }
0x2c: {  	s7 =	sld [smem:$0x3FB1]  }
0x2d: {  	s3 =	simm.s32 $0x108;
	s8 =	sld [smem:$0x3FB2]  }
0x2e: {  	s3 =	simm.s32 @!p0 $0x1082;
	s9 =	sld [smem:$0x3FB3]  }
0x2f: {  	lr =	sadd.s32 s0, s3;
	s0 =	sld [smem:$0x3FAA]  }
0x30: {  	s3 =	sld [smem:$0x3FAD]  }
0x31: {  	[smem:$0x3FB6] =	sst s10  }
0x32: {  	s10 =	sld [smem:$0x3FB4];
	_ =	sdelay $0x3  }
0x33: {  	p0 =	seq.s32 s10, $0x1;
	s10 =	sld [smem:$0x3FB6];
	_ =	sdelay $0x3  }
0x34: {  	[smem:$0x3FB6] =	sst s10  }
0x35: {  	s10 =	sld [smem:$0x3FB5];
	_ =	sdelay $0x3  }
0x36: {  	p1 =	seq.s32 s10, $0x1;
	s10 =	sld [smem:$0x3FB6];
	_ =	sdelay $0x3  }
0x37: {  	[smem:$0x3FB6] =	sst s10  }
0x38: {  	s10 =	sld [smem:$0x3FB7]  }
0x39: {  	_ = 	snop;
	(pc) =	sbr.ind lr, $3  }
0x3a: {  	_ = 	snop  }
0x3b: {  	_ = 	snop  }
0x3c: {  	p2 =	seq.s32 s10, $0x1;
	s10 =	sld [smem:$0x3FB6]  }
0x3d: {  	_ =	shalt  }
0x3e: {  	_ =	shalt  }
0x3f: {  	_ =	shalt  }
0x40: {  	_ =	shalt  }
0x41: {  	_ =	shalt  }
0x42: {  	_ =	shalt  }
0x43: {  	_ =	shalt  }
0x44: {  	_ =	shalt  }
0x45: {  	_ =	shalt  }
0x46: {  	_ =	shalt  }
0x47: {  	_ =	shalt  }
0x48: {  	_ =	shalt  }
0x49: {  	_ =	shalt  }
0x4a: {  	_ =	shalt  }
0x4b: {  	_ =	shalt  }
0x4c: {  	_ =	shalt  }
0x4d: {  	_ =	shalt  }
0x4e: {  	_ =	shalt  }
0x4f: {  	_ =	shalt  }
0x50: {  	_ =	shalt  }
0x51: {  	_ =	shalt  }
0x52: {  	_ =	shalt  }
0x53: {  	_ =	shalt  }
0x54: {  	_ =	shalt  }
0x55: {  	_ =	shalt  }
0x56: {  	_ =	shalt  }
0x57: {  	_ =	shalt  }
0x58: {  	_ =	shalt  }
0x59: {  	_ =	shalt  }
0x5a: {  	_ =	shalt  }
0x5b: {  	_ =	shalt  }
0x5c: {  	_ =	shalt  }
0x5d: {  	_ =	shalt  }
0x5e: {  	_ =	shalt  }
0x5f: {  	_ =	shalt  }
0x60: {  	_ =	shalt  }
0x61: {  	_ =	shalt  }
0x62: {  	_ =	shalt  }
0x63: {  	_ =	shalt  }
0x64: {  	_ =	shalt  }
0x65: {  	_ =	shalt  }
0x66: {  	_ =	shalt  }
0x67: {  	_ =	shalt  }
0x68: {  	_ =	shalt  }
0x69: {  	_ =	shalt  }
0x6a: {  	_ =	shalt  }
0x6b: {  	_ =	shalt  }
0x6c: {  	_ =	shalt  }
0x6d: {  	_ =	shalt  }
0x6e: {  	_ =	shalt  }
0x6f: {  	_ =	shalt  }
0x70: {  	_ =	shalt  }
0x71: {  	_ =	shalt  }
0x72: {  	_ =	shalt  }
0x73: {  	_ =	shalt  }
0x74: {  	_ =	shalt  }
0x75: {  	_ =	shalt  }
0x76: {  	_ =	shalt  }
0x77: {  	_ =	shalt  }
0x78: {  	_ =	shalt  }
0x79: {  	_ =	shalt  }
0x7a: {  	_ =	shalt  }
0x7b: {  	_ =	shalt  }
0x7c: {  	_ =	shalt  }
0x7d: {  	_ =	shalt  }
0x7e: {  	_ =	shalt  }
0x7f: {  	_ =	shalt  }
0x80: {  	_ =	shalt  }
0x81: {  	_ =	shalt  }
0x82: {  	_ =	shalt  }
0x83: {  	_ =	shalt  }
0x84: {  	_ =	shalt  }
0x85: {  	_ =	shalt  }
0x86: {  	_ =	shalt  }
0x87: {  	_ =	shalt  }
.Lfunc_end0:
.L_simem_size_0:
called_computation.1_lowered:
.L_overlay_start_0:
0x88: {  	s2 =	sld [smem:$0x3FD9]  }
0x89: {  	s3 =	sld [smem:$0x3FFE];
	_ =	sdelay $0x1  }
0x8a: {  	s1 =	srdreg.scid  }
0x8b: {  	s0 =	sand.u32 $0x1, s1  }
0x8c: {  	s16 =	sshll.u32 s0, $0xA;
	s2 =	sadd.s32 s3, s2  }
0x8d: {  	s2 =	sadd.s32 s2, s16  }
0x8e: {  	[smem:$0x3FC2] =	sst s2  }
0x8f: {  	_ = 	snop  }
0x90: {  	(tm) =	ssettm $0x1  }
0x91: {  	s17 =	sld [smem:$0x3FFB];
	_ =	sdelay $0x3  }
0x92: {  	_ =	strace s17  }
0x93: {  	s2 =	sld [smem:$0x3FFC];
	_ =	sdelay $0x3  }
0x94: {  	_ =	strace s2  }
0x95: {  	s2 =	sld [smem:$0x3FFD];
	_ =	sdelay $0x3  }
0x96: {  	_ =	strace s2  }
0x97: {  	_ =	strace $0x8FFFFFFF  }
0x98: {  	s18 =	sld [smem:$0x3FDB];
	_ =	sdelay $0x1  }
0x99: {  	s19 =	simm.s32 $_scs_section_size  }
0x9a: {  	s4 =	simm.s32 $_size__tile_overlayer_lowered;
	s5 =	simm.s32 $_tile_overlayer_lowered  }
0x9b: {  	s22 =	simm.s32 $0x1BFF;
	s21 =	sshll.u32 s5, $0x1;
	s2 =	sadd.s32 s19, s18  }
0x9c: {  	s6 =	simm.s32 $0x0;
	s20 =	sshll.u32 s4, $0x1;
	s4 =	sadd.s32 s21, s2  }
0x9d: {  	[timem:s6], [sflag:s22] =	dma.local [hbm:s4], s20  }
0x9e: {  	_ =	swait.ge [sflag:s22], s20  }
0x9f: {  	s3 =	ssub.s32 $0x0, s20;
	[sflag:s22] =	ssyncset.done $0x0  }
0xa0: {  	[sflag:s22] =	ssyncadd.s32 s3;
	_ =	sdelay $0x1  }
0xa1: {  	s23 =	simm.s32 $0x1B8B  }
0xa2: {  	_ =	swait.ge [sflag:s23], $0x1  }
0xa3: {  	[sflag:s23] =	ssyncset.done $0x0  }
0xa4: {  	s25 =	simm.s32 $0x1B8E;
	s24 =	sld [smem:$0x3FFE];
	[sflag:s23] =	ssyncadd.s32 $0xFFFFFFFF  }
0xa5: {  	s26 =	simm.s32 $execute0_lowered;
	[smem:$0x3FD2] =	sst s25  }
0xa6: {  	s4 =	sshll.u32 s26, $0x1;
	_ =	strace $0x80000049;
	[dreg:$0x1] =	wrdreg $0xFFFFFFFF  }
0xa7: {  	s28 =	simm.s32 $_size_execute0_lowered;
	s2 =	sadd.s32 s2, s4;
	[dreg:$0x0] =	wrdreg $0x0  }
0xa8: {  	s4 =	sshll.u32 s28, $0x1;
	[dreg:$0x2] =	wrdreg s2  }
0xa9: {  	[dreg:$0x3] =	wrdreg s4  }
0xaa: {  	[dreg:$0x4] =	wrdreg $0xC0  }
0xab: {  	_ =	task [dreg:s6], $0x5FFFF  }
0xac: {  	[dreg:$0x1] =	wrdreg $0xFFFFFFFF  }
0xad: {  	[dreg:$0x0] =	wrdreg $0x60  }
0xae: {  	[dreg:$0x2] =	wrdreg s24  }
0xaf: {  	[dreg:$0x3] =	wrdreg $0x9000  }
0xb0: {  	[dreg:$0x4] =	wrdreg $0x9  }
0xb1: {  	_ =	task.clear_ibuf [dreg:s6], $0x5FFFF;
	_ =	strace $0x90000049  }
0xb2: {  	s29 =	simm.s32 $0x9;
	_ =	strace $0x8000004B  }
0xb3: {  	_ =	swait.ge [sflag:s29], $0x1  }
0xb4: {  	[sflag:s29] =	ssyncadd.s32 $0xFFFFFFFF  }
0xb5: {  	_ =	strace $0x9000004B  }
0xb6: {  	_ =	sfence  }
0xb7: {  	s30 =	sld [smem:$0x0];
	_ =	sdelay $0x2  }
0xb8: {  	s31 =	sshll.u32 s1, $0xD;
	s1 =	sshrl.u32 s1, $0x2  }
0xb9: {  	s3 =	sand.u32 $0x4000, s31;
	s1 =	sadd.s32 s1, s30  }
0xba: {  	s0 =	sor.u32 s3, s0;
	s1 =	sshll.u32 s1, $0x11  }
0xbb: {  	s0 =	sor.u32 s1, s0  }
0xbc: {  	s0 =	sadd.s32 $0x8F2B, s0  }
0xbd: {  	[sflag:s0] =	ssyncadd.remote.s32 $0x1  }
0xbe: {  	_ =	sfence.sel $0xFFFF  }
0xbf: {  	[dreg:$0x0] =	wrdreg $0xFFFFFFFF;
	(pc) =	sbr.abs _section_cstart, $3  }
0xc0: {  	[dreg:$0x1] =	wrdreg $0xFFFFFFFF  }
0xc1: {  	_ =	task.clear_ibuf [dreg:s6], $0x2FFFF;
	_ =	strace $0x9FFFFFFF  }
0xc2: {  	(tm) =	ssettm $0x7FFFFFFF  }
0xc3: {  	_ =	shalt  }
tec
execute0_lowered:
.L_overlay_start_1:
0x0: {  	(tag) =	ssettag $0x1  }
0x1: {  	s5 =	rddreg [dreg:$0x0]  }
0x2: {  	s1 =	rddreg [dreg:$0x1]  }
0x3: {  	s0 =	rddreg [dreg:$0x2]  }
0x4: {  	s13 =	stileid.u32;
	s3 =	srdreg.scid;
	s2 =	simm.s32 $0x0  }
0x5: {  	s12 =	simm.s32 $0x1;
	s15 =	simm.s32 $0x0;
	s4 =	smul.u32 $0x13C0, s13  }
0x6: {  	s6 =	sand.u32 $0x1, s3;
	[smem:$0x7FF] =	sst s2;
	s8 =	smul.u32 $0x280, s13  }
0x7: {  	s3 =	sadd.s32 $0x3CA00, s5;
	s10 =	smul.u32 $0xA000, s13;
	p0 =	sne.s32 s13, $0x0  }
0x8: {  	s13 =	sshll.u32 s13, $0x6;
	s7 =	smul.u32 $0x2800, s6;
	_ =	strace $0x8000004A  }
0x9: {  	s28 =	ssub.s32 $0x2, s6;
	s6 =	smul.u32 $0x9E0, s6;
	s13 =	sor.u32 $0x1C02, s13  }
0xa: {  	s9 =	sadd.s32 s4, s5;
	s4 =	sadd.s32 $0x41A00, s5;
	s11 =	sshrl.u32 s28, $0x1  }
0xb: {  	s30 =	sshrl.u32 s10, $0x2;
	s10 =	simm.s32 $0x80;
	s7 =	sadd.s32 s8, s7  }
0xc: {  	s29 =	ssub.s32 s28, s11;
	s14 =	sadd.s32 s30, s1;
	s31 =	sadd.s32 s6, s9  }
0xd: {  	s8 =	sshrl.u32 @!p0 s1, $0x3;
	s9 =	simm.s32 $0x2;
	s7 =	sshll.u32 s7, $0x1  }
0xe: {  	s11 =	simm.s32 $0x100;
	s6 =	smax.u32 s29, $0x1;
	s5 =	sadd.s32 s7, s5  }
0xf: {  	s14 =	sshrl.u32 s14, $0x3;
	s7 =	sadd.s32 $0x1600, s31;
	s5 =	sadd.s32 $0x46A00, s5  }
.LBB2_1:
0x10: {  	s16 =	simm.s32 @!p0 $0x1C02  }
0x11: {  	[spmem:s8], [sflag:s16] =	dma.local @!p0 [hbm:s4], $0x5000  }
0x12: {  	s16 =	simm.s32 @!p0 $0x2  }
0x13: {  	_ =	swait.ge @!p0 [sflag:s16], $0x5000  }
0x14: {  	[sflag:s16] =	ssyncset.done @!p0 $0x0  }
0x15: {  	[sflag:s16] =	ssyncadd.s32 @!p0 $0xFFFFB000  }
0x16: {  	s31 =	sadd.s32 $0x0, s7;
	[bflag:$0x0] =	sbarrier.arrive $0xFFFF  }
0x17: {  	[tilespmem:s2], [sflag:$0x2] =	stream.linear.gather [hbm4b:s31+s2], $0x100, $0x38;
	[tilespmem:$0x3100] =	vst v63  }
0x18: {  	_ =	swait.ge [sflag:s9], $0x100  }
0x19: {  	[sflag:s9] =	ssyncset.done $0x0  }
0x1a: {  	[sflag:s9] =	ssyncadd.s32 $0xFFFFFF00  }
0x1b: {  	[tilespmem:s11], [sflag:$0x1] =	stream.indirect.gather [hbm4b:s3+s10], $0x10, s2, s10, $0xb8;
	[tilespmem:$0x3100] =	vst v63  }
0x1c: {  	_ =	swait.ge [sflag:s12], $0x800  }
0x1d: {  	[sflag:s12] =	ssyncset.done $0x0  }
0x1e: {  	[sflag:s12] =	ssyncadd.s32 $0xFFFFF800  }
0x1f: {  	[spmem:s1] =	stream.indirect.scatter.add.f32 [tilespmem:s11], [sflag:$0x2], $0x10, s10, s10, $0xb8;
	[tilespmem:$0x3100] =	vst v63  }
0x20: {  	_ =	swait.ge [sflag:s9], $0x800  }
0x21: {  	s17 =	simm.s32 $0x40;
	s16 =	simm.s32 $0x20;
	[sflag:s9] =	ssyncset.done $0x0  }
.LBB2_2:
0x22: {  	s18 =	sadd.s32 s16, s7  }
0x23: {  	[sflag:s9] =	ssyncadd.s32 $0xFFFFF800;
	s16 =	smov.u32 s17;
	s19 =	sadd.s32 $0x20, s17  }
0x24: {  	[tilespmem:s2], [sflag:$0x2] =	stream.linear.gather [hbm4b:s18+s2], $0x100, $0x38;
	[tilespmem:$0x3100] =	vst v63  }
0x25: {  	p1 =	sne.s32 s17, $0x9C0;
	_ =	swait.ge [sflag:s9], $0x100  }
0x26: {  	[sflag:s9] =	ssyncset.done $0x0  }
0x27: {  	[sflag:s9] =	ssyncadd.s32 $0xFFFFFF00  }
0x28: {  	[tilespmem:s11], [sflag:$0x1] =	stream.indirect.gather [hbm4b:s3+s10], $0x10, s2, s10, $0xb8;
	[tilespmem:$0x3100] =	vst v63  }
0x29: {  	_ =	swait.ge [sflag:s12], $0x800  }
.Ltmp0:
0x2a: {  	[sflag:s12] =	ssyncset.done $0x0;
	(pc) =	sbr.rel @p1 .LBB2_2-.Ltmp0, $4  }
0x2b: {  	[sflag:s12] =	ssyncadd.s32 $0xFFFFF800  }
0x2c: {  	[spmem:s1] =	stream.indirect.scatter.add.f32 [tilespmem:s11], [sflag:$0x2], $0x10, s10, s10, $0xb8;
	[tilespmem:$0x3100] =	vst v63  }
0x2d: {  	_ =	swait.ge [sflag:s9], $0x800  }
0x2e: {  	s17 =	smov.u32 s19;
	[sflag:s9] =	ssyncset.done $0x0  }
0x2f: {  	s16 =	sadd.s32 s16, s7;
	[sflag:s9] =	ssyncadd.s32 $0xFFFFF800  }
0x30: {  	[tilespmem:s2], [sflag:$0x2] =	stream.linear.gather [hbm4b:s16+s2], $0x100, $0x38;
	[tilespmem:$0x3100] =	vst v63  }
0x31: {  	_ =	swait.ge [sflag:s9], $0x100  }
0x32: {  	[sflag:s9] =	ssyncset.done $0x0  }
0x33: {  	[sflag:s9] =	ssyncadd.s32 $0xFFFFFF00  }
0x34: {  	[tilespmem:s11], [sflag:$0x1] =	stream.indirect.gather [hbm4b:s3+s10], $0x10, s2, s10, $0xb8;
	[tilespmem:$0x3100] =	vst v63  }
0x35: {  	_ =	swait.ge [sflag:s12], $0x800  }
0x36: {  	[sflag:s12] =	ssyncset.done $0x0  }
0x37: {  	[sflag:s12] =	ssyncadd.s32 $0xFFFFF800  }
0x38: {  	[spmem:s1] =	stream.indirect.scatter.add.f32 [tilespmem:s11], [sflag:$0x2], $0x10, s10, s10, $0xb8;
	[tilespmem:$0x3100] =	vst v63  }
0x39: {  	_ =	swait.ge [sflag:s9], $0x800  }
0x3a: {  	s15 =	sadd.s32 $0x1, s15;
	[sflag:s9] =	ssyncset.done $0x0  }
0x3b: {  	p1 =	sne.s32 s15, s6;
	[sflag:s9] =	ssyncadd.s32 $0xFFFFF800  }
.Ltmp1:
0x3c: {  	[bflag:$0x0] =	sbarrier.arrive $0xFFFF;
	(pc) =	sbr.rel @p1 .LBB2_1-.Ltmp1, $4  }
0x3d: {  	[hbm:s5], [sflag:s13] =	dma.local [spmem:s14], $0x500  }
0x3e: {  	_ =	swait.ge [sflag:s9], $0x500  }
0x3f: {  	[sflag:s9] =	ssyncset.done $0x0  }
0x40: {  	[sflag:s9] =	ssyncadd.s32 $0xFFFFFB00  }
0x41: {  	_ =	sfence.sel $0x180000  }
0x42: {  	[bflag:$0x0] =	sbarrier.arrive $0xFFFF  }
0x43: {  	_ =	strace $0x9000004A  }
0x44: {  	s0 =	sadd.s32 @!p0 $0x100000, s0;
	[bflag:$0x2] =	sbarrier.arrive $0xFFFF  }
0x45: {  	[sflag:s0] =	ssyncadd.tile.s32 @!p0 $0x1;
	_ =	shalt  }
.Lfunc_end2:
_tile_overlayer_lowered:
.L_overlay_start_2:
0x46: {  	(tag) =	ssettag $0x2  }
0x47: {  	s0 =	rddreg [dreg:$0x0];
	s2 =	stileid.u32  }
0x48: {  	s1 =	rddreg [dreg:$0x1];
	p0 =	sne.s32 s2, $0x0  }
0x49: {  	s3 =	rddreg [dreg:$0x2];
	[bflag:$0x3] =	sbarrier.arrive $0xFFFF;
	s2 =	simm.s32 @!p0 $0x1C02  }
0x4a: {  	[timem:s3], [sflag:s2] =	dma.local @!p0 [hbm:s0], s1  }
0x4b: {  	s0 =	simm.s32 @!p0 $0x2  }
0x4c: {  	_ =	swait.ge @!p0 [sflag:s0], s1  }
0x4d: {  	s1 =	ssub.s32 @!p0 $0x0, s1;
	[sflag:s0] =	ssyncset.done @!p0 $0x0  }
0x4e: {  	[sflag:s0] =	ssyncadd.s32 @!p0 s1  }
0x4f: {  	[bflag:$0x3] =	sbarrier.arrive $0xFFFF  }
0x50: {  	_ =	shalt  }

// kernel: kernel.14.cloned.1.call-start
scs
__scs_entry_jumppad:
0x0: {  	(pc) =	sbr.rel $0x88, $3  }
0x1: {  	(tag) =	ssettag $0x0;
	lr =	simm.s32 $0x1  }
0x2: {  	[smem:$0x3F9B] =	sst lr;
	_ =	strace $0xD0000000  }
0x3: {  	_ = 	snop  }
0x4: {  	_ = 	snop  }
0x5: {  	_ = 	snop  }
0x6: {  	_ = 	snop  }
0x7: {  	_ = 	snop  }
__scs_overlays_trampoline_lowered:
0x8: {  	[smem:$0x3FAA] =	sst s0  }
0x9: {  	[smem:$0x3FAB] =	sst s1  }
0xa: {  	[smem:$0x3FAC] =	sst s2  }
0xb: {  	[smem:$0x3FAD] =	sst s3  }
0xc: {  	[smem:$0x3FAE] =	sst s4  }
0xd: {  	[smem:$0x3FAF] =	sst s5  }
0xe: {  	[smem:$0x3FB0] =	sst s6  }
0xf: {  	[smem:$0x3FB1] =	sst s7  }
0x10: {  	[smem:$0x3FB2] =	sst s8  }
0x11: {  	[smem:$0x3FB3] =	sst s9;
	s0 =	simm.s32 @!p0 $0x0  }
0x12: {  	s1 =	sld [smem:$0x3F99];
	s0 =	simm.s32 @p0 $0x1  }
0x13: {  	[smem:$0x3FB4] =	sst s0;
	s0 =	simm.s32 @!p1 $0x0  }
0x14: {  	s2 =	sld [smem:$0x3F98];
	s0 =	simm.s32 @p1 $0x1  }
0x15: {  	[smem:$0x3FB5] =	sst s0;
	s0 =	simm.s32 @!p2 $0x0  }
0x16: {  	s3 =	sld [smem:$0x3FDB];
	s0 =	simm.s32 @p2 $0x1  }
0x17: {  	s4 =	simm.s32 $0x1BF5;
	[smem:$0x3FB7] =	sst s0  }
0x18: {  	s0 =	sld [smem:$0x3F9A];
	_ =	swait.ge [sflag:s4], $0x0  }
0x19: {  	s7 =	sld [smem:$0x3F9B]  }
0x1a: {  	s8 =	sadd.s32 $0xFFFFE003, lr  }
0x1b: {  	s9 =	sadd.s32 $0xFFFFFEF7, lr;
	s5 =	simm.s32 $0xFFFFFFFF;
	p2 =	slt.u32 s8, $0xFFFFF086  }
0x1c: {  	p1 =	slt.u32 s9, $0xF7A;
	s5 =	simm.s32 @!p2 $0x0  }
0x1d: {  	s5 =	simm.s32 @p1 $0x1;
	p0 =	seq.s32 s7, s2  }
0x1e: {  	s7 =	smul.u32 @!p0 $0xF7A, s2;
	p2 =	seq.s32 @!p0 s5, $0x0  }
0x1f: {  	s9 =	smul.u32 $0xF7A, s1;
	s8 =	simm.s32 @!p0 $0x1BF5;
	p2 =	por !p2, p0  }
0x20: {  	[sflag:s8] =	ssyncset.s32 @!p0 $0xFFFFF086;
	s6 =	sadd.s32 @!p0 s3, s7;
	s7 =	simm.s32 @!p0 $0x108  }
0x21: {  	s3 =	sadd.s32 s3, s9;
	s6 =	sadd.s32 @!p0 $0x88, s6;
	s7 =	simm.s32 @p2 $0x1082  }
0x22: {  	[simem:s7], [sflag:s8] =	dma.local @!p0 [hbm:s6], $0xF7A  }
0x23: {  	s9 =	sor.u32 $0xD0000000, s2;
	s6 =	simm.s32 $0x108;
	_ =	swait.ge @!p0 [sflag:s8], $0x0  }
0x24: {  	s3 =	sadd.s32 $0x88, s3;
	s6 =	simm.s32 @!p1 $0x1082;
	[sflag:s4] =	ssyncset.s32 $0xFFFFF086  }
0x25: {  	[simem:s6], [sflag:s4] =	dma.local [hbm:s3], $0xF7A  }
0x26: {  	[smem:$0x3F9B] =	sst s1;
	(tag) =	ssettag s2;
	_ =	strace s9  }
0x27: {  	s1 =	sld [smem:$0x3FAB]  }
0x28: {  	s2 =	sld [smem:$0x3FAC]  }
0x29: {  	s4 =	sld [smem:$0x3FAE]  }
0x2a: {  	p0 =	seq.s32 s5, $0x0;
	s5 =	sld [smem:$0x3FAF]  }
0x2b: {  	s6 =	sld [smem:$0x3FB0]  }
0x2c: {  	s7 =	sld [smem:$0x3FB1]  }
0x2d: {  	s3 =	simm.s32 $0x108;
	s8 =	sld [smem:$0x3FB2]  }
0x2e: {  	s3 =	simm.s32 @!p0 $0x1082;
	s9 =	sld [smem:$0x3FB3]  }
0x2f: {  	lr =	sadd.s32 s0, s3;
	s0 =	sld [smem:$0x3FAA]  }
0x30: {  	s3 =	sld [smem:$0x3FAD]  }
0x31: {  	[smem:$0x3FB6] =	sst s10  }
0x32: {  	s10 =	sld [smem:$0x3FB4];
	_ =	sdelay $0x3  }
0x33: {  	p0 =	seq.s32 s10, $0x1;
	s10 =	sld [smem:$0x3FB6];
	_ =	sdelay $0x3  }
0x34: {  	[smem:$0x3FB6] =	sst s10  }
0x35: {  	s10 =	sld [smem:$0x3FB5];
	_ =	sdelay $0x3  }
0x36: {  	p1 =	seq.s32 s10, $0x1;
	s10 =	sld [smem:$0x3FB6];
	_ =	sdelay $0x3  }
0x37: {  	[smem:$0x3FB6] =	sst s10  }
0x38: {  	s10 =	sld [smem:$0x3FB7]  }
0x39: {  	_ = 	snop;
	(pc) =	sbr.ind lr, $3  }
0x3a: {  	_ = 	snop  }
0x3b: {  	_ = 	snop  }
0x3c: {  	p2 =	seq.s32 s10, $0x1;
	s10 =	sld [smem:$0x3FB6]  }
0x3d: {  	_ =	shalt  }
0x3e: {  	_ =	shalt  }
0x3f: {  	_ =	shalt  }
0x40: {  	_ =	shalt  }
0x41: {  	_ =	shalt  }
0x42: {  	_ =	shalt  }
0x43: {  	_ =	shalt  }
0x44: {  	_ =	shalt  }
0x45: {  	_ =	shalt  }
0x46: {  	_ =	shalt  }
0x47: {  	_ =	shalt  }
0x48: {  	_ =	shalt  }
0x49: {  	_ =	shalt  }
0x4a: {  	_ =	shalt  }
0x4b: {  	_ =	shalt  }
0x4c: {  	_ =	shalt  }
0x4d: {  	_ =	shalt  }
0x4e: {  	_ =	shalt  }
0x4f: {  	_ =	shalt  }
0x50: {  	_ =	shalt  }
0x51: {  	_ =	shalt  }
0x52: {  	_ =	shalt  }
0x53: {  	_ =	shalt  }
0x54: {  	_ =	shalt  }
0x55: {  	_ =	shalt  }
0x56: {  	_ =	shalt  }
0x57: {  	_ =	shalt  }
0x58: {  	_ =	shalt  }
0x59: {  	_ =	shalt  }
0x5a: {  	_ =	shalt  }
0x5b: {  	_ =	shalt  }
0x5c: {  	_ =	shalt  }
0x5d: {  	_ =	shalt  }
0x5e: {  	_ =	shalt  }
0x5f: {  	_ =	shalt  }
0x60: {  	_ =	shalt  }
0x61: {  	_ =	shalt  }
0x62: {  	_ =	shalt  }
0x63: {  	_ =	shalt  }
0x64: {  	_ =	shalt  }
0x65: {  	_ =	shalt  }
0x66: {  	_ =	shalt  }
0x67: {  	_ =	shalt  }
0x68: {  	_ =	shalt  }
0x69: {  	_ =	shalt  }
0x6a: {  	_ =	shalt  }
0x6b: {  	_ =	shalt  }
0x6c: {  	_ =	shalt  }
0x6d: {  	_ =	shalt  }
0x6e: {  	_ =	shalt  }
0x6f: {  	_ =	shalt  }
0x70: {  	_ =	shalt  }
0x71: {  	_ =	shalt  }
0x72: {  	_ =	shalt  }
0x73: {  	_ =	shalt  }
0x74: {  	_ =	shalt  }
0x75: {  	_ =	shalt  }
0x76: {  	_ =	shalt  }
0x77: {  	_ =	shalt  }
0x78: {  	_ =	shalt  }
0x79: {  	_ =	shalt  }
0x7a: {  	_ =	shalt  }
0x7b: {  	_ =	shalt  }
0x7c: {  	_ =	shalt  }
0x7d: {  	_ =	shalt  }
0x7e: {  	_ =	shalt  }
0x7f: {  	_ =	shalt  }
0x80: {  	_ =	shalt  }
0x81: {  	_ =	shalt  }
0x82: {  	_ =	shalt  }
0x83: {  	_ =	shalt  }
0x84: {  	_ =	shalt  }
0x85: {  	_ =	shalt  }
0x86: {  	_ =	shalt  }
0x87: {  	_ =	shalt  }
.Lfunc_end0:
.L_simem_size_0:
called_computation.2_lowered:
.L_overlay_start_0:
0x88: {  	s2 =	sld [smem:$0x3FD9]  }
0x89: {  	s3 =	sld [smem:$0x3FFE];
	_ =	sdelay $0x1  }
0x8a: {  	s1 =	srdreg.scid  }
0x8b: {  	s0 =	sand.u32 $0x1, s1  }
0x8c: {  	s16 =	sshll.u32 s0, $0xA;
	s2 =	sadd.s32 s3, s2  }
0x8d: {  	s2 =	sadd.s32 s2, s16  }
0x8e: {  	[smem:$0x3FC2] =	sst s2  }
0x8f: {  	_ = 	snop  }
0x90: {  	(tm) =	ssettm $0x1  }
0x91: {  	s17 =	sld [smem:$0x3FFB];
	_ =	sdelay $0x3  }
0x92: {  	_ =	strace s17  }
0x93: {  	s2 =	sld [smem:$0x3FFC];
	_ =	sdelay $0x3  }
0x94: {  	_ =	strace s2  }
0x95: {  	s2 =	sld [smem:$0x3FFD];
	_ =	sdelay $0x3  }
0x96: {  	_ =	strace s2  }
0x97: {  	_ =	strace $0x8FFFFFFF  }
0x98: {  	s18 =	sld [smem:$0x3FDB];
	_ =	sdelay $0x1  }
0x99: {  	s19 =	simm.s32 $_scs_section_size  }
0x9a: {  	s4 =	simm.s32 $_size__tile_overlayer_lowered;
	s5 =	simm.s32 $_tile_overlayer_lowered  }
0x9b: {  	s22 =	simm.s32 $0x1BFF;
	s21 =	sshll.u32 s5, $0x1;
	s2 =	sadd.s32 s19, s18  }
0x9c: {  	s6 =	simm.s32 $0x0;
	s20 =	sshll.u32 s4, $0x1;
	s4 =	sadd.s32 s21, s2  }
0x9d: {  	[timem:s6], [sflag:s22] =	dma.local [hbm:s4], s20  }
0x9e: {  	_ =	swait.ge [sflag:s22], s20  }
0x9f: {  	s3 =	ssub.s32 $0x0, s20;
	[sflag:s22] =	ssyncset.done $0x0  }
0xa0: {  	[sflag:s22] =	ssyncadd.s32 s3;
	_ =	sdelay $0x1  }
0xa1: {  	s23 =	simm.s32 $0x1B8B  }
0xa2: {  	_ =	swait.ge [sflag:s23], $0x1  }
0xa3: {  	[sflag:s23] =	ssyncset.done $0x0  }
0xa4: {  	s25 =	simm.s32 $0x1B8E;
	s24 =	sld [smem:$0x3FFE];
	[sflag:s23] =	ssyncadd.s32 $0xFFFFFFFF  }
0xa5: {  	s26 =	simm.s32 $execute0_lowered;
	[smem:$0x3FD2] =	sst s25  }
0xa6: {  	s4 =	sshll.u32 s26, $0x1;
	_ =	strace $0x8000004C;
	[dreg:$0x1] =	wrdreg $0xFFFFFFFF  }
0xa7: {  	s28 =	simm.s32 $_size_execute0_lowered;
	s2 =	sadd.s32 s2, s4;
	[dreg:$0x0] =	wrdreg $0x0  }
0xa8: {  	s4 =	sshll.u32 s28, $0x1;
	[dreg:$0x2] =	wrdreg s2  }
0xa9: {  	[dreg:$0x3] =	wrdreg s4  }
0xaa: {  	[dreg:$0x4] =	wrdreg $0xC0  }
0xab: {  	_ =	task [dreg:s6], $0x5FFFF  }
0xac: {  	[dreg:$0x1] =	wrdreg $0xFFFFFFFF  }
0xad: {  	[dreg:$0x0] =	wrdreg $0x60  }
0xae: {  	[dreg:$0x2] =	wrdreg s24  }
0xaf: {  	[dreg:$0x3] =	wrdreg $0x1800  }
0xb0: {  	[dreg:$0x4] =	wrdreg $0x9  }
0xb1: {  	_ =	task.clear_ibuf [dreg:s6], $0x5FFFF;
	_ =	strace $0x9000004C  }
0xb2: {  	s29 =	simm.s32 $0x9;
	_ =	strace $0x8000004E  }
0xb3: {  	_ =	swait.ge [sflag:s29], $0x1  }
0xb4: {  	[sflag:s29] =	ssyncadd.s32 $0xFFFFFFFF  }
0xb5: {  	_ =	strace $0x9000004E  }
0xb6: {  	_ =	sfence  }
0xb7: {  	s30 =	sld [smem:$0x0];
	_ =	sdelay $0x2  }
0xb8: {  	s31 =	sshll.u32 s1, $0xD;
	s1 =	sshrl.u32 s1, $0x2  }
0xb9: {  	s3 =	sand.u32 $0x4000, s31;
	s1 =	sadd.s32 s1, s30  }
0xba: {  	s0 =	sor.u32 s3, s0;
	s1 =	sshll.u32 s1, $0x11  }
0xbb: {  	s0 =	sor.u32 s1, s0  }
0xbc: {  	s0 =	sadd.s32 $0x8F2B, s0  }
0xbd: {  	[sflag:s0] =	ssyncadd.remote.s32 $0x1  }
0xbe: {  	_ =	sfence.sel $0xFFFF  }
0xbf: {  	[dreg:$0x0] =	wrdreg $0xFFFFFFFF;
	(pc) =	sbr.abs _section_cstart, $3  }
0xc0: {  	[dreg:$0x1] =	wrdreg $0xFFFFFFFF  }
0xc1: {  	_ =	task.clear_ibuf [dreg:s6], $0x2FFFF;
	_ =	strace $0x9FFFFFFF  }
0xc2: {  	(tm) =	ssettm $0x7FFFFFFF  }
0xc3: {  	_ =	shalt  }
tec
execute0_lowered:
.L_overlay_start_1:
0x0: {  	(tag) =	ssettag $0x1  }
0x1: {  	s5 =	rddreg [dreg:$0x0];
	s13 =	stileid.u32  }
0x2: {  	s0 =	srdreg.scid;
	s1 =	rddreg [dreg:$0x1]  }
0x3: {  	s2 =	simm.s32 $0x0;
	s12 =	simm.s32 $0x1;
	s15 =	simm.s32 $0x0  }
0x4: {  	s3 =	smul.u32 $0x13C0, s13;
	s4 =	sand.u32 $0x1, s0;
	s0 =	rddreg [dreg:$0x2]  }
0x5: {  	[smem:$0x7FF] =	sst s2;
	s7 =	smul.u32 $0x280, s13;
	p0 =	sne.s32 s13, $0x0  }
0x6: {  	s13 =	sshll.u32 s13, $0x6;
	s6 =	smul.u32 $0x2800, s4;
	_ =	strace $0x8000004D  }
0x7: {  	s9 =	ssub.s32 $0x2, s4;
	s11 =	smul.u32 $0x9E0, s4;
	s4 =	sadd.s32 $0x15200, s5  }
0x8: {  	s13 =	sor.u32 $0x1C02, s13;
	s8 =	sadd.s32 s3, s5;
	s3 =	sadd.s32 $0x3CA00, s5  }
0x9: {  	s10 =	sshrl.u32 s9, $0x1;
	s14 =	sadd.s32 s7, s1;
	s6 =	sadd.s32 s7, s6  }
0xa: {  	s30 =	ssub.s32 s9, s10;
	s31 =	sadd.s32 s11, s8;
	s8 =	sshrl.u32 @!p0 s1, $0x3  }
0xb: {  	s9 =	simm.s32 $0x2;
	s10 =	simm.s32 $0x80;
	s6 =	sshrl.u32 s6, $0x3  }
0xc: {  	s11 =	simm.s32 $0x100;
	s14 =	sshrl.u32 s14, $0x3;
	s5 =	sadd.s32 s6, s5  }
0xd: {  	s7 =	sadd.s32 $0x1600, s31;
	s6 =	smax.u32 s30, $0x1;
	s5 =	sadd.s32 $0x3D000, s5  }
.LBB2_1:
0xe: {  	s16 =	simm.s32 @!p0 $0x1C02  }
0xf: {  	[spmem:s8], [sflag:s16] =	dma.local @!p0 [hbm:s4], $0x500  }
0x10: {  	s16 =	simm.s32 @!p0 $0x2  }
0x11: {  	_ =	swait.ge @!p0 [sflag:s16], $0x500  }
0x12: {  	[sflag:s16] =	ssyncset.done @!p0 $0x0  }
0x13: {  	[sflag:s16] =	ssyncadd.s32 @!p0 $0xFFFFFB00  }
0x14: {  	s31 =	sadd.s32 $0x0, s7;
	[bflag:$0x0] =	sbarrier.arrive $0xFFFF  }
0x15: {  	[tilespmem:s2], [sflag:$0x2] =	stream.linear.gather [hbm4b:s31+s2], $0x100, $0x38;
	[tilespmem:$0x400] =	vst v63  }
0x16: {  	_ =	swait.ge [sflag:s9], $0x100  }
0x17: {  	[sflag:s9] =	ssyncset.done $0x0  }
0x18: {  	[sflag:s9] =	ssyncadd.s32 $0xFFFFFF00  }
0x19: {  	[tilespmem:s11], [sflag:$0x1] =	stream.indirect.gather [hbm4b:s3+s10], $0x1, s2, s10, $0xb8;
	[tilespmem:$0x400] =	vst v63  }
0x1a: {  	_ =	swait.ge [sflag:s12], $0x80  }
0x1b: {  	[sflag:s12] =	ssyncset.done $0x0  }
0x1c: {  	[sflag:s12] =	ssyncadd.s32 $0xFFFFFF80  }
0x1d: {  	[spmem:s1] =	stream.indirect.scatter.add.f32 [tilespmem:s11], [sflag:$0x2], $0x1, s10, s10, $0xb8;
	[tilespmem:$0x400] =	vst v63  }
0x1e: {  	_ =	swait.ge [sflag:s9], $0x80  }
0x1f: {  	s17 =	simm.s32 $0x40;
	s16 =	simm.s32 $0x20;
	[sflag:s9] =	ssyncset.done $0x0  }
.LBB2_2:
0x20: {  	s18 =	sadd.s32 s16, s7  }
0x21: {  	[sflag:s9] =	ssyncadd.s32 $0xFFFFFF80;
	s16 =	smov.u32 s17;
	s19 =	sadd.s32 $0x20, s17  }
0x22: {  	[tilespmem:s2], [sflag:$0x2] =	stream.linear.gather [hbm4b:s18+s2], $0x100, $0x38;
	[tilespmem:$0x400] =	vst v63  }
0x23: {  	p1 =	sne.s32 s17, $0x9C0;
	_ =	swait.ge [sflag:s9], $0x100  }
0x24: {  	[sflag:s9] =	ssyncset.done $0x0  }
0x25: {  	[sflag:s9] =	ssyncadd.s32 $0xFFFFFF00  }
0x26: {  	[tilespmem:s11], [sflag:$0x1] =	stream.indirect.gather [hbm4b:s3+s10], $0x1, s2, s10, $0xb8;
	[tilespmem:$0x400] =	vst v63  }
0x27: {  	_ =	swait.ge [sflag:s12], $0x80  }
.Ltmp0:
0x28: {  	[sflag:s12] =	ssyncset.done $0x0;
	(pc) =	sbr.rel @p1 .LBB2_2-.Ltmp0, $4  }
0x29: {  	[sflag:s12] =	ssyncadd.s32 $0xFFFFFF80  }
0x2a: {  	[spmem:s1] =	stream.indirect.scatter.add.f32 [tilespmem:s11], [sflag:$0x2], $0x1, s10, s10, $0xb8;
	[tilespmem:$0x400] =	vst v63  }
0x2b: {  	_ =	swait.ge [sflag:s9], $0x80  }
0x2c: {  	s17 =	smov.u32 s19;
	[sflag:s9] =	ssyncset.done $0x0  }
0x2d: {  	s16 =	sadd.s32 s16, s7;
	[sflag:s9] =	ssyncadd.s32 $0xFFFFFF80  }
0x2e: {  	[tilespmem:s2], [sflag:$0x2] =	stream.linear.gather [hbm4b:s16+s2], $0x100, $0x38;
	[tilespmem:$0x400] =	vst v63  }
0x2f: {  	_ =	swait.ge [sflag:s9], $0x100  }
0x30: {  	[sflag:s9] =	ssyncset.done $0x0  }
0x31: {  	[sflag:s9] =	ssyncadd.s32 $0xFFFFFF00  }
0x32: {  	[tilespmem:s11], [sflag:$0x1] =	stream.indirect.gather [hbm4b:s3+s10], $0x1, s2, s10, $0xb8;
	[tilespmem:$0x400] =	vst v63  }
0x33: {  	_ =	swait.ge [sflag:s12], $0x80  }
0x34: {  	[sflag:s12] =	ssyncset.done $0x0  }
0x35: {  	[sflag:s12] =	ssyncadd.s32 $0xFFFFFF80  }
0x36: {  	[spmem:s1] =	stream.indirect.scatter.add.f32 [tilespmem:s11], [sflag:$0x2], $0x1, s10, s10, $0xb8;
	[tilespmem:$0x400] =	vst v63  }
0x37: {  	_ =	swait.ge [sflag:s9], $0x80  }
0x38: {  	s15 =	sadd.s32 $0x1, s15;
	[sflag:s9] =	ssyncset.done $0x0  }
0x39: {  	p1 =	sne.s32 s15, s6;
	[sflag:s9] =	ssyncadd.s32 $0xFFFFFF80  }
.Ltmp1:
0x3a: {  	[bflag:$0x0] =	sbarrier.arrive $0xFFFF;
	(pc) =	sbr.rel @p1 .LBB2_1-.Ltmp1, $4  }
0x3b: {  	[hbm:s5], [sflag:s13] =	dma.local [spmem:s14], $0x50  }
0x3c: {  	_ =	swait.ge [sflag:s9], $0x50  }
0x3d: {  	[sflag:s9] =	ssyncset.done $0x0  }
0x3e: {  	[sflag:s9] =	ssyncadd.s32 $0xFFFFFFB0  }
0x3f: {  	_ =	sfence.sel $0x180000  }
0x40: {  	[bflag:$0x0] =	sbarrier.arrive $0xFFFF  }
0x41: {  	_ =	strace $0x9000004D  }
0x42: {  	s0 =	sadd.s32 @!p0 $0x100000, s0;
	[bflag:$0x2] =	sbarrier.arrive $0xFFFF  }
0x43: {  	[sflag:s0] =	ssyncadd.tile.s32 @!p0 $0x1;
	_ =	shalt  }
.Lfunc_end2:
_tile_overlayer_lowered:
.L_overlay_start_2:
0x44: {  	(tag) =	ssettag $0x2  }
0x45: {  	s0 =	rddreg [dreg:$0x0];
	s2 =	stileid.u32  }
0x46: {  	s1 =	rddreg [dreg:$0x1];
	p0 =	sne.s32 s2, $0x0  }
0x47: {  	s3 =	rddreg [dreg:$0x2];
	[bflag:$0x3] =	sbarrier.arrive $0xFFFF;
	s2 =	simm.s32 @!p0 $0x1C02  }
0x48: {  	[timem:s3], [sflag:s2] =	dma.local @!p0 [hbm:s0], s1  }
0x49: {  	s0 =	simm.s32 @!p0 $0x2  }
0x4a: {  	_ =	swait.ge @!p0 [sflag:s0], s1  }
0x4b: {  	s1 =	ssub.s32 @!p0 $0x0, s1;
	[sflag:s0] =	ssyncset.done @!p0 $0x0  }
0x4c: {  	[sflag:s0] =	ssyncadd.s32 @!p0 s1  }
0x4d: {  	[bflag:$0x3] =	sbarrier.arrive $0xFFFF  }
0x4e: {  	_ =	shalt  }

// kernel: kernel.8.cloned.1.call-start
scs
__scs_entry_jumppad:
0x0: {  	(pc) =	sbr.rel $0x88, $3  }
0x1: {  	(tag) =	ssettag $0x0;
	lr =	simm.s32 $0x1  }
0x2: {  	[smem:$0x3F9B] =	sst lr;
	_ =	strace $0xD0000000  }
0x3: {  	_ = 	snop  }
0x4: {  	_ = 	snop  }
0x5: {  	_ = 	snop  }
0x6: {  	_ = 	snop  }
0x7: {  	_ = 	snop  }
__scs_overlays_trampoline_lowered:
0x8: {  	[smem:$0x3FAA] =	sst s0  }
0x9: {  	[smem:$0x3FAB] =	sst s1  }
0xa: {  	[smem:$0x3FAC] =	sst s2  }
0xb: {  	[smem:$0x3FAD] =	sst s3  }
0xc: {  	[smem:$0x3FAE] =	sst s4  }
0xd: {  	[smem:$0x3FAF] =	sst s5  }
0xe: {  	[smem:$0x3FB0] =	sst s6  }
0xf: {  	[smem:$0x3FB1] =	sst s7  }
0x10: {  	[smem:$0x3FB2] =	sst s8  }
0x11: {  	[smem:$0x3FB3] =	sst s9;
	s0 =	simm.s32 @!p0 $0x0  }
0x12: {  	s1 =	sld [smem:$0x3F99];
	s0 =	simm.s32 @p0 $0x1  }
0x13: {  	[smem:$0x3FB4] =	sst s0;
	s0 =	simm.s32 @!p1 $0x0  }
0x14: {  	s2 =	sld [smem:$0x3F98];
	s0 =	simm.s32 @p1 $0x1  }
0x15: {  	[smem:$0x3FB5] =	sst s0;
	s0 =	simm.s32 @!p2 $0x0  }
0x16: {  	s3 =	sld [smem:$0x3FDB];
	s0 =	simm.s32 @p2 $0x1  }
0x17: {  	s4 =	simm.s32 $0x1BF5;
	[smem:$0x3FB7] =	sst s0  }
0x18: {  	s0 =	sld [smem:$0x3F9A];
	_ =	swait.ge [sflag:s4], $0x0  }
0x19: {  	s7 =	sld [smem:$0x3F9B]  }
0x1a: {  	s8 =	sadd.s32 $0xFFFFE003, lr  }
0x1b: {  	s9 =	sadd.s32 $0xFFFFFEF7, lr;
	s5 =	simm.s32 $0xFFFFFFFF;
	p2 =	slt.u32 s8, $0xFFFFF086  }
0x1c: {  	p1 =	slt.u32 s9, $0xF7A;
	s5 =	simm.s32 @!p2 $0x0  }
0x1d: {  	s5 =	simm.s32 @p1 $0x1;
	p0 =	seq.s32 s7, s2  }
0x1e: {  	s7 =	smul.u32 @!p0 $0xF7A, s2;
	p2 =	seq.s32 @!p0 s5, $0x0  }
0x1f: {  	s9 =	smul.u32 $0xF7A, s1;
	s8 =	simm.s32 @!p0 $0x1BF5;
	p2 =	por !p2, p0  }
0x20: {  	[sflag:s8] =	ssyncset.s32 @!p0 $0xFFFFF086;
	s6 =	sadd.s32 @!p0 s3, s7;
	s7 =	simm.s32 @!p0 $0x108  }
0x21: {  	s3 =	sadd.s32 s3, s9;
	s6 =	sadd.s32 @!p0 $0x88, s6;
	s7 =	simm.s32 @p2 $0x1082  }
0x22: {  	[simem:s7], [sflag:s8] =	dma.local @!p0 [hbm:s6], $0xF7A  }
0x23: {  	s9 =	sor.u32 $0xD0000000, s2;
	s6 =	simm.s32 $0x108;
	_ =	swait.ge @!p0 [sflag:s8], $0x0  }
0x24: {  	s3 =	sadd.s32 $0x88, s3;
	s6 =	simm.s32 @!p1 $0x1082;
	[sflag:s4] =	ssyncset.s32 $0xFFFFF086  }
0x25: {  	[simem:s6], [sflag:s4] =	dma.local [hbm:s3], $0xF7A  }
0x26: {  	[smem:$0x3F9B] =	sst s1;
	(tag) =	ssettag s2;
	_ =	strace s9  }
0x27: {  	s1 =	sld [smem:$0x3FAB]  }
0x28: {  	s2 =	sld [smem:$0x3FAC]  }
0x29: {  	s4 =	sld [smem:$0x3FAE]  }
0x2a: {  	p0 =	seq.s32 s5, $0x0;
	s5 =	sld [smem:$0x3FAF]  }
0x2b: {  	s6 =	sld [smem:$0x3FB0]  }
0x2c: {  	s7 =	sld [smem:$0x3FB1]  }
0x2d: {  	s3 =	simm.s32 $0x108;
	s8 =	sld [smem:$0x3FB2]  }
0x2e: {  	s3 =	simm.s32 @!p0 $0x1082;
	s9 =	sld [smem:$0x3FB3]  }
0x2f: {  	lr =	sadd.s32 s0, s3;
	s0 =	sld [smem:$0x3FAA]  }
0x30: {  	s3 =	sld [smem:$0x3FAD]  }
0x31: {  	[smem:$0x3FB6] =	sst s10  }
0x32: {  	s10 =	sld [smem:$0x3FB4];
	_ =	sdelay $0x3  }
0x33: {  	p0 =	seq.s32 s10, $0x1;
	s10 =	sld [smem:$0x3FB6];
	_ =	sdelay $0x3  }
0x34: {  	[smem:$0x3FB6] =	sst s10  }
0x35: {  	s10 =	sld [smem:$0x3FB5];
	_ =	sdelay $0x3  }
0x36: {  	p1 =	seq.s32 s10, $0x1;
	s10 =	sld [smem:$0x3FB6];
	_ =	sdelay $0x3  }
0x37: {  	[smem:$0x3FB6] =	sst s10  }
0x38: {  	s10 =	sld [smem:$0x3FB7]  }
0x39: {  	_ = 	snop;
	(pc) =	sbr.ind lr, $3  }
0x3a: {  	_ = 	snop  }
0x3b: {  	_ = 	snop  }
0x3c: {  	p2 =	seq.s32 s10, $0x1;
	s10 =	sld [smem:$0x3FB6]  }
0x3d: {  	_ =	shalt  }
0x3e: {  	_ =	shalt  }
0x3f: {  	_ =	shalt  }
0x40: {  	_ =	shalt  }
0x41: {  	_ =	shalt  }
0x42: {  	_ =	shalt  }
0x43: {  	_ =	shalt  }
0x44: {  	_ =	shalt  }
0x45: {  	_ =	shalt  }
0x46: {  	_ =	shalt  }
0x47: {  	_ =	shalt  }
0x48: {  	_ =	shalt  }
0x49: {  	_ =	shalt  }
0x4a: {  	_ =	shalt  }
0x4b: {  	_ =	shalt  }
0x4c: {  	_ =	shalt  }
0x4d: {  	_ =	shalt  }
0x4e: {  	_ =	shalt  }
0x4f: {  	_ =	shalt  }
0x50: {  	_ =	shalt  }
0x51: {  	_ =	shalt  }
0x52: {  	_ =	shalt  }
0x53: {  	_ =	shalt  }
0x54: {  	_ =	shalt  }
0x55: {  	_ =	shalt  }
0x56: {  	_ =	shalt  }
0x57: {  	_ =	shalt  }
0x58: {  	_ =	shalt  }
0x59: {  	_ =	shalt  }
0x5a: {  	_ =	shalt  }
0x5b: {  	_ =	shalt  }
0x5c: {  	_ =	shalt  }
0x5d: {  	_ =	shalt  }
0x5e: {  	_ =	shalt  }
0x5f: {  	_ =	shalt  }
0x60: {  	_ =	shalt  }
0x61: {  	_ =	shalt  }
0x62: {  	_ =	shalt  }
0x63: {  	_ =	shalt  }
0x64: {  	_ =	shalt  }
0x65: {  	_ =	shalt  }
0x66: {  	_ =	shalt  }
0x67: {  	_ =	shalt  }
0x68: {  	_ =	shalt  }
0x69: {  	_ =	shalt  }
0x6a: {  	_ =	shalt  }
0x6b: {  	_ =	shalt  }
0x6c: {  	_ =	shalt  }
0x6d: {  	_ =	shalt  }
0x6e: {  	_ =	shalt  }
0x6f: {  	_ =	shalt  }
0x70: {  	_ =	shalt  }
0x71: {  	_ =	shalt  }
0x72: {  	_ =	shalt  }
0x73: {  	_ =	shalt  }
0x74: {  	_ =	shalt  }
0x75: {  	_ =	shalt  }
0x76: {  	_ =	shalt  }
0x77: {  	_ =	shalt  }
0x78: {  	_ =	shalt  }
0x79: {  	_ =	shalt  }
0x7a: {  	_ =	shalt  }
0x7b: {  	_ =	shalt  }
0x7c: {  	_ =	shalt  }
0x7d: {  	_ =	shalt  }
0x7e: {  	_ =	shalt  }
0x7f: {  	_ =	shalt  }
0x80: {  	_ =	shalt  }
0x81: {  	_ =	shalt  }
0x82: {  	_ =	shalt  }
0x83: {  	_ =	shalt  }
0x84: {  	_ =	shalt  }
0x85: {  	_ =	shalt  }
0x86: {  	_ =	shalt  }
0x87: {  	_ =	shalt  }
.Lfunc_end0:
.L_simem_size_0:
called_computation_lowered:
.L_overlay_start_0:
0x88: {  	s2 =	sld [smem:$0x3FD9]  }
0x89: {  	s3 =	sld [smem:$0x3FFE];
	_ =	sdelay $0x1  }
0x8a: {  	s1 =	srdreg.scid  }
0x8b: {  	s0 =	sand.u32 $0x1, s1  }
0x8c: {  	s16 =	sshll.u32 s0, $0xA;
	s2 =	sadd.s32 s3, s2  }
0x8d: {  	s2 =	sadd.s32 s2, s16  }
0x8e: {  	[smem:$0x3FC2] =	sst s2  }
0x8f: {  	_ = 	snop  }
0x90: {  	(tm) =	ssettm $0x1  }
0x91: {  	s17 =	sld [smem:$0x3FFB];
	_ =	sdelay $0x3  }
0x92: {  	_ =	strace s17  }
0x93: {  	s2 =	sld [smem:$0x3FFC];
	_ =	sdelay $0x3  }
0x94: {  	_ =	strace s2  }
0x95: {  	s2 =	sld [smem:$0x3FFD];
	_ =	sdelay $0x3  }
0x96: {  	_ =	strace s2  }
0x97: {  	_ =	strace $0x8FFFFFFF  }
0x98: {  	s18 =	sld [smem:$0x3FDB];
	_ =	sdelay $0x1  }
0x99: {  	s19 =	simm.s32 $_scs_section_size  }
0x9a: {  	s4 =	simm.s32 $_size__tile_overlayer_lowered;
	s5 =	simm.s32 $_tile_overlayer_lowered  }
0x9b: {  	s22 =	simm.s32 $0x1BFF;
	s21 =	sshll.u32 s5, $0x1;
	s2 =	sadd.s32 s19, s18  }
0x9c: {  	s6 =	simm.s32 $0x0;
	s20 =	sshll.u32 s4, $0x1;
	s4 =	sadd.s32 s21, s2  }
0x9d: {  	[timem:s6], [sflag:s22] =	dma.local [hbm:s4], s20  }
0x9e: {  	_ =	swait.ge [sflag:s22], s20  }
0x9f: {  	s3 =	ssub.s32 $0x0, s20;
	[sflag:s22] =	ssyncset.done $0x0  }
0xa0: {  	[sflag:s22] =	ssyncadd.s32 s3;
	_ =	sdelay $0x1  }
0xa1: {  	s23 =	simm.s32 $0x1B8B  }
0xa2: {  	_ =	swait.ge [sflag:s23], $0x1  }
0xa3: {  	[sflag:s23] =	ssyncset.done $0x0  }
0xa4: {  	s25 =	simm.s32 $0x1B8E;
	s24 =	sld [smem:$0x3FFE];
	[sflag:s23] =	ssyncadd.s32 $0xFFFFFFFF  }
0xa5: {  	s26 =	simm.s32 $execute0_lowered;
	[smem:$0x3FD2] =	sst s25  }
0xa6: {  	s4 =	sshll.u32 s26, $0x1;
	_ =	strace $0x80000046;
	[dreg:$0x1] =	wrdreg $0xFFFFFFFF  }
0xa7: {  	s28 =	simm.s32 $_size_execute0_lowered;
	s2 =	sadd.s32 s2, s4;
	[dreg:$0x0] =	wrdreg $0x0  }
0xa8: {  	s4 =	sshll.u32 s28, $0x1;
	[dreg:$0x2] =	wrdreg s2  }
0xa9: {  	[dreg:$0x3] =	wrdreg s4  }
0xaa: {  	[dreg:$0x4] =	wrdreg $0xC0  }
0xab: {  	_ =	task [dreg:s6], $0x5FFFF  }
0xac: {  	[dreg:$0x1] =	wrdreg $0xFFFFFFFF  }
0xad: {  	[dreg:$0x0] =	wrdreg $0x60  }
0xae: {  	[dreg:$0x2] =	wrdreg s24  }
0xaf: {  	[dreg:$0x3] =	wrdreg $0x1800  }
0xb0: {  	[dreg:$0x4] =	wrdreg $0x9  }
0xb1: {  	_ =	task.clear_ibuf [dreg:s6], $0x5FFFF;
	_ =	strace $0x90000046  }
0xb2: {  	s29 =	simm.s32 $0x9;
	_ =	strace $0x80000048  }
0xb3: {  	_ =	swait.ge [sflag:s29], $0x1  }
0xb4: {  	[sflag:s29] =	ssyncadd.s32 $0xFFFFFFFF  }
0xb5: {  	_ =	strace $0x90000048  }
0xb6: {  	_ =	sfence  }
0xb7: {  	s30 =	sld [smem:$0x0];
	_ =	sdelay $0x2  }
0xb8: {  	s31 =	sshll.u32 s1, $0xD;
	s1 =	sshrl.u32 s1, $0x2  }
0xb9: {  	s3 =	sand.u32 $0x4000, s31;
	s1 =	sadd.s32 s1, s30  }
0xba: {  	s0 =	sor.u32 s3, s0;
	s1 =	sshll.u32 s1, $0x11  }
0xbb: {  	s0 =	sor.u32 s1, s0  }
0xbc: {  	s0 =	sadd.s32 $0x8F2B, s0  }
0xbd: {  	[sflag:s0] =	ssyncadd.remote.s32 $0x1  }
0xbe: {  	_ =	sfence.sel $0xFFFF  }
0xbf: {  	[dreg:$0x0] =	wrdreg $0xFFFFFFFF;
	(pc) =	sbr.abs _section_cstart, $3  }
0xc0: {  	[dreg:$0x1] =	wrdreg $0xFFFFFFFF  }
0xc1: {  	_ =	task.clear_ibuf [dreg:s6], $0x2FFFF;
	_ =	strace $0x9FFFFFFF  }
0xc2: {  	(tm) =	ssettm $0x7FFFFFFF  }
0xc3: {  	_ =	shalt  }
tec
execute0_lowered:
.L_overlay_start_1:
0x0: {  	(tag) =	ssettag $0x1  }
0x1: {  	s11 =	stileid.u32;
	s4 =	rddreg [dreg:$0x0]  }
0x2: {  	s0 =	srdreg.scid;
	s1 =	rddreg [dreg:$0x1];
	s2 =	simm.s32 $0x0  }
0x3: {  	s3 =	smul.u32 $0x13C0, s11;
	s5 =	sand.u32 $0x1, s0;
	s0 =	rddreg [dreg:$0x2]  }
0x4: {  	s13 =	simm.s32 $0x0;
	s7 =	smul.u32 $0x280, s11;
	[smem:$0x7FF] =	sst s2  }
0x5: {  	p0 =	sne.s32 s11, $0x0;
	s11 =	sshll.u32 s11, $0x6;
	s6 =	smul.u32 $0x2800, s5  }
0x6: {  	_ =	strace $0x80000047;
	s9 =	ssub.s32 $0x2, s5;
	s10 =	smul.u32 $0x9E0, s5  }
0x7: {  	s11 =	sor.u32 $0x1C01, s11;
	s8 =	sadd.s32 s3, s4;
	s3 =	sadd.s32 $0x15200, s4  }
0x8: {  	s29 =	sshrl.u32 s9, $0x1;
	s12 =	sadd.s32 s7, s1;
	s6 =	sadd.s32 s7, s6  }
0x9: {  	s30 =	ssub.s32 s9, s29;
	s31 =	sadd.s32 s10, s8;
	s7 =	sshrl.u32 @!p0 s1, $0x3  }
0xa: {  	s8 =	simm.s32 $0x1;
	s9 =	simm.s32 $0x80;
	s6 =	sshrl.u32 s6, $0x3  }
0xb: {  	s10 =	simm.s32 $0x100;
	s12 =	sshrl.u32 s12, $0x3;
	s4 =	sadd.s32 s6, s4  }
0xc: {  	v0 =	vimm.f32 $1.000000000e+00;
	s5 =	smax.u32 s30, $0x1;
	s6 =	sadd.s32 $0x1600, s31;
	s4 =	sadd.s32 $0x15800, s4  }
.LBB2_1:
0xd: {  	s14 =	simm.s32 @!p0 $0x1C01  }
0xe: {  	[spmem:s7], [sflag:s14] =	dma.local @!p0 [hbm:s3], $0x500  }
0xf: {  	s14 =	simm.s32 @!p0 $0x1  }
0x10: {  	_ =	swait.ge @!p0 [sflag:s14], $0x500  }
0x11: {  	[sflag:s14] =	ssyncset.done @!p0 $0x0  }
0x12: {  	[sflag:s14] =	ssyncadd.s32 @!p0 $0xFFFFFB00  }
0x13: {  	[tilespmem:$0x100] =	vst v0  }
0x14: {  	[tilespmem:$0x110] =	vst v0  }
0x15: {  	[tilespmem:$0x120] =	vst v0  }
0x16: {  	[tilespmem:$0x130] =	vst v0  }
0x17: {  	[tilespmem:$0x140] =	vst v0  }
0x18: {  	[tilespmem:$0x150] =	vst v0  }
0x19: {  	[tilespmem:$0x160] =	vst v0  }
0x1a: {  	[tilespmem:$0x170] =	vst v0  }
0x1b: {  	s31 =	sadd.s32 $0x0, s6;
	[bflag:$0x0] =	sbarrier.arrive $0xFFFF  }
0x1c: {  	[tilespmem:s2], [sflag:$0x1] =	stream.linear.gather [hbm4b:s31+s2], $0x100, $0x38;
	[tilespmem:$0x400] =	vst v63  }
0x1d: {  	_ =	swait.ge [sflag:s8], $0x100  }
0x1e: {  	[sflag:s8] =	ssyncset.done $0x0  }
0x1f: {  	[sflag:s8] =	ssyncadd.s32 $0xFFFFFF00  }
0x20: {  	[spmem:s1] =	stream.indirect.scatter.add.f32 [tilespmem:s10], [sflag:$0x1], $0x1, s9, s9, $0xb8;
	[tilespmem:$0x400] =	vst v63  }
0x21: {  	_ =	swait.ge [sflag:s8], $0x80  }
0x22: {  	s15 =	simm.s32 $0x40;
	s14 =	simm.s32 $0x20;
	[sflag:s8] =	ssyncset.done $0x0  }
.LBB2_2:
0x23: {  	s16 =	sadd.s32 s14, s6  }
0x24: {  	[sflag:s8] =	ssyncadd.s32 $0xFFFFFF80;
	s14 =	smov.u32 s15;
	s17 =	sadd.s32 $0x20, s15  }
0x25: {  	[tilespmem:s2], [sflag:$0x1] =	stream.linear.gather [hbm4b:s16+s2], $0x100, $0x38;
	[tilespmem:$0x400] =	vst v63  }
0x26: {  	p1 =	sne.s32 s15, $0x9C0;
	_ =	swait.ge [sflag:s8], $0x100  }
.Ltmp0:
0x27: {  	[sflag:s8] =	ssyncset.done $0x0;
	(pc) =	sbr.rel @p1 .LBB2_2-.Ltmp0, $4  }
0x28: {  	[sflag:s8] =	ssyncadd.s32 $0xFFFFFF00  }
0x29: {  	[spmem:s1] =	stream.indirect.scatter.add.f32 [tilespmem:s10], [sflag:$0x1], $0x1, s9, s9, $0xb8;
	[tilespmem:$0x400] =	vst v63  }
0x2a: {  	_ =	swait.ge [sflag:s8], $0x80  }
0x2b: {  	s15 =	smov.u32 s17;
	[sflag:s8] =	ssyncset.done $0x0  }
0x2c: {  	s14 =	sadd.s32 s14, s6;
	[sflag:s8] =	ssyncadd.s32 $0xFFFFFF80  }
0x2d: {  	[tilespmem:s2], [sflag:$0x1] =	stream.linear.gather [hbm4b:s14+s2], $0x100, $0x38;
	[tilespmem:$0x400] =	vst v63  }
0x2e: {  	_ =	swait.ge [sflag:s8], $0x100  }
0x2f: {  	[sflag:s8] =	ssyncset.done $0x0  }
0x30: {  	[sflag:s8] =	ssyncadd.s32 $0xFFFFFF00  }
0x31: {  	[spmem:s1] =	stream.indirect.scatter.add.f32 [tilespmem:s10], [sflag:$0x1], $0x1, s9, s9, $0xb8;
	[tilespmem:$0x400] =	vst v63  }
0x32: {  	_ =	swait.ge [sflag:s8], $0x80  }
0x33: {  	s13 =	sadd.s32 $0x1, s13;
	[sflag:s8] =	ssyncset.done $0x0  }
0x34: {  	p1 =	sne.s32 s13, s5;
	[sflag:s8] =	ssyncadd.s32 $0xFFFFFF80  }
.Ltmp1:
0x35: {  	[bflag:$0x0] =	sbarrier.arrive $0xFFFF;
	(pc) =	sbr.rel @p1 .LBB2_1-.Ltmp1, $4  }
0x36: {  	[hbm:s4], [sflag:s11] =	dma.local [spmem:s12], $0x50  }
0x37: {  	_ =	swait.ge [sflag:s8], $0x50  }
0x38: {  	[sflag:s8] =	ssyncset.done $0x0  }
0x39: {  	[sflag:s8] =	ssyncadd.s32 $0xFFFFFFB0  }
0x3a: {  	_ =	sfence.sel $0x180000  }
0x3b: {  	[bflag:$0x0] =	sbarrier.arrive $0xFFFF  }
0x3c: {  	_ =	strace $0x90000047  }
0x3d: {  	s0 =	sadd.s32 @!p0 $0x100000, s0;
	[bflag:$0x2] =	sbarrier.arrive $0xFFFF  }
0x3e: {  	[sflag:s0] =	ssyncadd.tile.s32 @!p0 $0x1;
	_ =	shalt  }
.Lfunc_end2:
_tile_overlayer_lowered:
.L_overlay_start_2:
0x3f: {  	(tag) =	ssettag $0x2  }
0x40: {  	s0 =	rddreg [dreg:$0x0];
	s2 =	stileid.u32  }
0x41: {  	s1 =	rddreg [dreg:$0x1];
	p0 =	sne.s32 s2, $0x0  }
0x42: {  	s3 =	rddreg [dreg:$0x2];
	[bflag:$0x3] =	sbarrier.arrive $0xFFFF;
	s2 =	simm.s32 @!p0 $0x1C01  }
0x43: {  	[timem:s3], [sflag:s2] =	dma.local @!p0 [hbm:s0], s1  }
0x44: {  	s0 =	simm.s32 @!p0 $0x1  }
0x45: {  	_ =	swait.ge @!p0 [sflag:s0], s1  }
0x46: {  	s1 =	ssub.s32 @!p0 $0x0, s1;
	[sflag:s0] =	ssyncset.done @!p0 $0x0  }
0x47: {  	[sflag:s0] =	ssyncadd.s32 @!p0 s1  }
0x48: {  	[bflag:$0x3] =	sbarrier.arrive $0xFFFF  }
0x49: {  	_ =	shalt  }

</sc_bundles>
